<compile_context>
chip_gen: v7x
topology: tpu7x:2x2x1
jax: 0.10.2.dev20260603
libtpu: 0.0.44.dev20260713+nightly
codegen_flags: <defaults>
</compile_context>

<pallas_src>
import functools

import jax
import jax.numpy as jnp
from jax import lax
from jax.experimental import pallas as pl
from jax.experimental.pallas import tpu as pltpu
from jax.experimental.pallas import tpu_sc as plsc

VOCAB = 100000
D = 128
NOUT = 256
B = 1024
SEQ = 256
NC = 2
NS = 16
NW = NC * NS
BPW = B // NW
L = 16
NJ = D // L
CK = 64
NCK = SEQ // CK


def _pool_body(ids_hbm, emb_hbm, out_hbm, idx_v, buf_a, buf_b, out_v,
               sem_a, sem_b):
    wid = lax.axis_index("s") * NC + lax.axis_index("c")
    base = wid * BPW
    pltpu.sync_copy(ids_hbm.at[pl.ds(base, BPW)], idx_v)

    zv = jnp.zeros((L,), jnp.float32)

    def zero_buf(buf):
        def zero_body(r, _):
            for j in range(NJ):
                buf[r, pl.ds(j * L, L)] = zv
            return 0

        lax.fori_loop(0, CK, zero_body, 0)

    def fire(bi, buf, sem):
        for c in range(NCK):
            pltpu.async_copy(
                emb_hbm.at[idx_v.at[bi, pl.ds(c * CK, CK)]], buf, sem, add=True
            )

    def drain(bi, buf, sem):
        for c in range(NCK):
            pltpu.make_async_copy(
                emb_hbm.at[idx_v.at[bi, pl.ds(c * CK, CK)]], buf, sem
            ).wait()

    def reduce_rezero(buf, bi):
        def red(r, acc):
            new = tuple(acc[j] + buf[r, pl.ds(j * L, L)] for j in range(NJ))
            for j in range(NJ):
                buf[r, pl.ds(j * L, L)] = zv
            return new

        acc = lax.fori_loop(
            0, CK, red, tuple(jnp.zeros((L,), jnp.float32) for _ in range(NJ))
        )
        for j in range(NJ):
            out_v[bi, pl.ds(j * L, L)] = acc[j]

    zero_buf(buf_a)
    fire(0, buf_a, sem_a)
    zero_buf(buf_b)

    def body(i, _):
        b0 = 2 * i
        b1 = b0 + 1
        fire(b1, buf_b, sem_b)
        drain(b0, buf_a, sem_a)
        reduce_rezero(buf_a, b0)

        @pl.when(b0 + 2 < BPW)
        def _():
            fire(b0 + 2, buf_a, sem_a)

        drain(b1, buf_b, sem_b)
        reduce_rezero(buf_b, b1)
        return 0

    lax.fori_loop(0, BPW // 2, body, 0)
    pltpu.sync_copy(out_v, out_hbm.at[pl.ds(base, BPW)])


_pool = functools.partial(
    pl.kernel,
    out_type=jax.ShapeDtypeStruct((B, D), jnp.float32),
    mesh=plsc.VectorSubcoreMesh(
        core_axis_name="c", subcore_axis_name="s", num_cores=NC, num_subcores=NS
    ),
    scratch_types=[
        pltpu.VMEM((BPW, SEQ), jnp.int32),
        pltpu.VMEM((CK, D), jnp.float32),
        pltpu.VMEM((CK, D), jnp.float32),
        pltpu.VMEM((BPW, D), jnp.float32),
        pltpu.SemaphoreType.DMA,
        pltpu.SemaphoreType.DMA,
    ],
)(_pool_body)


def _linear_body(x_ref, w_ref, bias_ref, o_ref):
    x = x_ref[...] * (1.0 / SEQ)
    o_ref[...] = (
        lax.dot_general(
            x, w_ref[...], (((1,), (1,)), ((), ())),
            preferred_element_type=jnp.float32,
        )
        + bias_ref[...]
    )


_linear = pl.pallas_call(
    _linear_body,
    out_shape=jax.ShapeDtypeStruct((B, NOUT), jnp.float32),
)


@jax.jit
def kernel(input_ids, attention_mask, sentences, embeddings, W, b):
    ids = input_ids.astype(jnp.int32)
    pooled = _pool(ids, embeddings)
    return _linear(pooled, W, b.reshape(1, NOUT))

# --- scband reference (transcript-rebuilt; emitter-appended) ---
"""Pipeline reference for scband-w2-vencoder-65773129171098 (READ-ONLY COPY).

The authoritative reference and input builder live on the scoring server;
editing this copy changes nothing except your own understanding.
"""

import jax, jax.numpy as jnp
import numpy as np

VOCAB = 100000
EMB_DIM = 128
NOUT = 256
BATCH = 1024
SEQ = 256


def setup_inputs(seed: int = 0) -> dict:
    key = jax.random.key(seed)
    k1, k2, k3, k4 = jax.random.split(key, 4)
    input_ids = jax.random.randint(k1, (BATCH, SEQ), 0, VOCAB, dtype=jnp.int64 if jax.config.jax_enable_x64 else jnp.int32)
    attention_mask = jnp.ones((BATCH, SEQ), dtype=input_ids.dtype)
    sentences = jnp.zeros((BATCH,), dtype=input_ids.dtype)
    # learned / pretrained params
    embeddings = jax.random.normal(k2, (VOCAB, EMB_DIM), dtype=jnp.float32)
    lim = 1.0 / np.sqrt(EMB_DIM)
    W = jax.random.uniform(k3, (NOUT, EMB_DIM), minval=-lim, maxval=lim, dtype=jnp.float32)
    b = jax.random.uniform(k4, (NOUT,), minval=-lim, maxval=lim, dtype=jnp.float32)
    return {"input_ids": input_ids, "attention_mask": attention_mask, "sentences": sentences, "embeddings": embeddings, "W": W, "b": b}


def reference(input_ids, attention_mask, sentences, embeddings, W, b):
    # x = input_ids.view(-1, 256)
    x = input_ids.reshape(-1, SEQ)
    # x = self.embeddings(x)  -> gather rows
    x = jnp.take(embeddings, x, axis=0)  # [B, 256, emb_dim]
    # x = torch.mean(x, dim=1)
    x = jnp.mean(x, axis=1)  # [B, emb_dim]
    # o = self.linear(x)
    o = x @ W.T + b  # [B, nout]
    return o

if __name__ == "__main__":
    import jax
    _d = setup_inputs()
    print(jax.jit(kernel)(*tuple(_d.values())))

</pallas_src>

<mosaic_0001>
#map = affine_map<(d0, d1) -> (0, 0)>
module attributes {stable_mosaic.version = 14 : i64} {
  func.func @_pool_body(%arg0: i32, %arg1: i32, %arg2: memref<1024x256xi32, #tpu.memory_space<hbm>>, %arg3: memref<100000x128xf32, #tpu.memory_space<hbm>>, %arg4: memref<1024x128xf32, #tpu.memory_space<hbm>>, %arg5: memref<32x256xi32, #tpu.memory_space<vmem>>, %arg6: memref<64x128xf32, #tpu.memory_space<vmem>>, %arg7: memref<64x128xf32, #tpu.memory_space<vmem>>, %arg8: memref<32x128xf32, #tpu.memory_space<vmem>>, %arg9: memref<!tpu.dma_semaphore, #tpu.memory_space<semaphore_mem>>, %arg10: memref<!tpu.dma_semaphore, #tpu.memory_space<semaphore_mem>>) attributes {dimension_semantics = [#tpu.dimension_semantics<core_parallel>, #tpu.dimension_semantics<subcore_parallel>], iteration_bounds = array<i64: 2, 16>, scalar_prefetch = 0 : i64, scratch_operands = 6 : i64, tpu.core_type = #tpu.core_type<sc_vector_subcore>, window_params = [{transform_indices = #map}, {transform_indices = #map}, {transform_indices = #map}]} {
    %mul3A = arith.constant 2 : i32
    %mul3A_0 = arith.muli %arg1, %mul3A : i32
    %add3A = arith.addi %mul3A_0, %arg0 : i32
    %mul3A_1 = arith.constant 32 : i32
    %mul3A_2 = arith.muli %add3A, %mul3A_1 : i32
    "tpu.region"() ({
      %run_scoped3A = tpu.sem_alloc : memref<!tpu.dma_semaphore, #tpu.memory_space<semaphore_mem>>
      %dma_start3A_51 = arith.constant 0 : i32
      %dma_start3A_52 = tpu.memref_slice %arg2[%mul3A_2, %dma_start3A_51] : memref<1024x256xi32, #tpu.memory_space<hbm>> -> memref<32x256xi32, #tpu.memory_space<hbm>>
      %dma_start3A_53 = arith.constant 0 : i32
      %dma_start3A_54 = tpu.memref_slice %arg2[%mul3A_2, %dma_start3A_53] : memref<1024x256xi32, #tpu.memory_space<hbm>> -> memref<32x256xi32, #tpu.memory_space<hbm>>
      tpu.enqueue_dma source(%dma_start3A_54 : memref<32x256xi32, #tpu.memory_space<hbm>>) target(%arg5 : memref<32x256xi32, #tpu.memory_space<vmem>>) target_semaphore(%run_scoped3A : memref<!tpu.dma_semaphore, #tpu.memory_space<semaphore_mem>>)
      %dma_wait3A = arith.constant 0 : i32
      %dma_wait3A_55 = tpu.memref_slice %arg2[%mul3A_2, %dma_wait3A] : memref<1024x256xi32, #tpu.memory_space<hbm>> -> memref<32x256xi32, #tpu.memory_space<hbm>>
      %dma_wait3A_56 = arith.constant 0 : i32
      %dma_wait3A_57 = tpu.memref_slice %arg2[%mul3A_2, %dma_wait3A_56] : memref<1024x256xi32, #tpu.memory_space<hbm>> -> memref<32x256xi32, #tpu.memory_space<hbm>>
      tpu.wait_dma2 semaphore(%run_scoped3A : memref<!tpu.dma_semaphore, #tpu.memory_space<semaphore_mem>>) src(%dma_wait3A_57 : memref<32x256xi32, #tpu.memory_space<hbm>>) dst(%arg5 : memref<32x256xi32, #tpu.memory_space<vmem>>)
      tpu.yield
    }) : () -> ()
    %broadcast_in_dim3A = arith.constant 0.000000e+00 : f32
    %broadcast_in_dim3A_3 = vector.broadcast %broadcast_in_dim3A : f32 to vector<16xf32>
    %scan3A = arith.constant 0 : i32
    %scan3A_4 = arith.constant 0 : i32
    %scan3A_5 = arith.constant 64 : i32
    %scan3A_6 = arith.addi %scan3A_4, %scan3A_5 : i32
    %scan3A_7 = arith.constant 1 : i32
    %scan3A_8 = scf.for %scan3A_51 = %scan3A_4 to %scan3A_6 step %scan3A_7 iter_args(%scan3A_52 = %scan3A) -> (i32)  : i32 {
      %swap3A = arith.index_cast %scan3A_51 : i32 to index
      %swap3A_53 = arith.constant 0 : index
      %swap3A_54 = tpu.vector_load %arg6[%swap3A, %swap3A_53] {strides = array<i32>} : memref<64x128xf32, #tpu.memory_space<vmem>>, vector<1x16xf32>,
      %swap3A_55 = vector.shape_cast %swap3A_54 : vector<1x16xf32> to vector<16xf32>
      %swap3A_56 = vector.shape_cast %broadcast_in_dim3A_3 : vector<16xf32> to vector<1x16xf32>
      tpu.vector_store %arg6[%swap3A, %swap3A_53], %swap3A_56 {strides = array<i32>} : memref<64x128xf32, #tpu.memory_space<vmem>>, vector<1x16xf32>,
      %swap3A_57 = arith.index_cast %scan3A_51 : i32 to index
      %swap3A_58 = arith.constant 16 : index
      %swap3A_59 = tpu.vector_load %arg6[%swap3A_57, %swap3A_58] {strides = array<i32>} : memref<64x128xf32, #tpu.memory_space<vmem>>, vector<1x16xf32>,
      %swap3A_60 = vector.shape_cast %swap3A_59 : vector<1x16xf32> to vector<16xf32>
      %swap3A_61 = vector.shape_cast %broadcast_in_dim3A_3 : vector<16xf32> to vector<1x16xf32>
      tpu.vector_store %arg6[%swap3A_57, %swap3A_58], %swap3A_61 {strides = array<i32>} : memref<64x128xf32, #tpu.memory_space<vmem>>, vector<1x16xf32>,
      %swap3A_62 = arith.index_cast %scan3A_51 : i32 to index
      %swap3A_63 = arith.constant 32 : index
      %swap3A_64 = tpu.vector_load %arg6[%swap3A_62, %swap3A_63] {strides = array<i32>} : memref<64x128xf32, #tpu.memory_space<vmem>>, vector<1x16xf32>,
      %swap3A_65 = vector.shape_cast %swap3A_64 : vector<1x16xf32> to vector<16xf32>
      %swap3A_66 = vector.shape_cast %broadcast_in_dim3A_3 : vector<16xf32> to vector<1x16xf32>
      tpu.vector_store %arg6[%swap3A_62, %swap3A_63], %swap3A_66 {strides = array<i32>} : memref<64x128xf32, #tpu.memory_space<vmem>>, vector<1x16xf32>,
      %swap3A_67 = arith.index_cast %scan3A_51 : i32 to index
      %swap3A_68 = arith.constant 48 : index
      %swap3A_69 = tpu.vector_load %arg6[%swap3A_67, %swap3A_68] {strides = array<i32>} : memref<64x128xf32, #tpu.memory_space<vmem>>, vector<1x16xf32>,
      %swap3A_70 = vector.shape_cast %swap3A_69 : vector<1x16xf32> to vector<16xf32>
      %swap3A_71 = vector.shape_cast %broadcast_in_dim3A_3 : vector<16xf32> to vector<1x16xf32>
      tpu.vector_store %arg6[%swap3A_67, %swap3A_68], %swap3A_71 {strides = array<i32>} : memref<64x128xf32, #tpu.memory_space<vmem>>, vector<1x16xf32>,
      %swap3A_72 = arith.index_cast %scan3A_51 : i32 to index
      %swap3A_73 = arith.constant 64 : index
      %swap3A_74 = tpu.vector_load %arg6[%swap3A_72, %swap3A_73] {strides = array<i32>} : memref<64x128xf32, #tpu.memory_space<vmem>>, vector<1x16xf32>,
      %swap3A_75 = vector.shape_cast %swap3A_74 : vector<1x16xf32> to vector<16xf32>
      %swap3A_76 = vector.shape_cast %broadcast_in_dim3A_3 : vector<16xf32> to vector<1x16xf32>
      tpu.vector_store %arg6[%swap3A_72, %swap3A_73], %swap3A_76 {strides = array<i32>} : memref<64x128xf32, #tpu.memory_space<vmem>>, vector<1x16xf32>,
      %swap3A_77 = arith.index_cast %scan3A_51 : i32 to index
      %swap3A_78 = arith.constant 80 : index
      %swap3A_79 = tpu.vector_load %arg6[%swap3A_77, %swap3A_78] {strides = array<i32>} : memref<64x128xf32, #tpu.memory_space<vmem>>, vector<1x16xf32>,
      %swap3A_80 = vector.shape_cast %swap3A_79 : vector<1x16xf32> to vector<16xf32>
      %swap3A_81 = vector.shape_cast %broadcast_in_dim3A_3 : vector<16xf32> to vector<1x16xf32>
      tpu.vector_store %arg6[%swap3A_77, %swap3A_78], %swap3A_81 {strides = array<i32>} : memref<64x128xf32, #tpu.memory_space<vmem>>, vector<1x16xf32>,
      %swap3A_82 = arith.index_cast %scan3A_51 : i32 to index
      %swap3A_83 = arith.constant 96 : index
      %swap3A_84 = tpu.vector_load %arg6[%swap3A_82, %swap3A_83] {strides = array<i32>} : memref<64x128xf32, #tpu.memory_space<vmem>>, vector<1x16xf32>,
      %swap3A_85 = vector.shape_cast %swap3A_84 : vector<1x16xf32> to vector<16xf32>
      %swap3A_86 = vector.shape_cast %broadcast_in_dim3A_3 : vector<16xf32> to vector<1x16xf32>
      tpu.vector_store %arg6[%swap3A_82, %swap3A_83], %swap3A_86 {strides = array<i32>} : memref<64x128xf32, #tpu.memory_space<vmem>>, vector<1x16xf32>,
      %swap3A_87 = arith.index_cast %scan3A_51 : i32 to index
      %swap3A_88 = arith.constant 112 : index
      %swap3A_89 = tpu.vector_load %arg6[%swap3A_87, %swap3A_88] {strides = array<i32>} : memref<64x128xf32, #tpu.memory_space<vmem>>, vector<1x16xf32>,
      %swap3A_90 = vector.shape_cast %swap3A_89 : vector<1x16xf32> to vector<16xf32>
      %swap3A_91 = vector.shape_cast %broadcast_in_dim3A_3 : vector<16xf32> to vector<1x16xf32>
      tpu.vector_store %arg6[%swap3A_87, %swap3A_88], %swap3A_91 {strides = array<i32>} : memref<64x128xf32, #tpu.memory_space<vmem>>, vector<1x16xf32>,
      %scan3A_92 = arith.constant 0 : i32
      scf.yield %scan3A_92 : i32
    }
    %scan3A_9 = arith.constant 64 : i32
    %dma_start3A = arith.constant 0 : i32
    %dma_start3A_10 = arith.constant 0 : i32
    %dma_start3A_11 = tpu.memref_slice %arg5[%dma_start3A, %dma_start3A_10] : memref<32x256xi32, #tpu.memory_space<vmem>> -> memref<1x64xi32, #tpu.memory_space<vmem>>
    %dma_start3A_12 = tpu.memref_squeeze %dma_start3A_11 : memref<1x64xi32, #tpu.memory_space<vmem>> -> memref<64xi32, #tpu.memory_space<vmem>>
    %dma_start3A_13 = arith.constant 0 : i32
    %dma_start3A_14 = arith.constant 0 : i32
    %dma_start3A_15 = tpu.memref_slice %arg3[%dma_start3A_13, %dma_start3A_14] : memref<100000x128xf32, #tpu.memory_space<hbm>> -> memref<100000x128xf32, #tpu.memory_space<hbm>>
    tpu.enqueue_indirect_dma source(%dma_start3A_15 : memref<100000x128xf32, #tpu.memory_space<hbm>>) target(%arg6 : memref<64x128xf32, #tpu.memory_space<vmem>>) offsets(%dma_start3A_12 : memref<64xi32, #tpu.memory_space<vmem>>) semaphore(%arg9 : memref<!tpu.dma_semaphore, #tpu.memory_space<semaphore_mem>>) {add = true}
    %dma_start3A_16 = arith.constant 0 : i32
    %dma_start3A_17 = arith.constant 64 : i32
    %dma_start3A_18 = tpu.memref_slice %arg5[%dma_start3A_16, %dma_start3A_17] : memref<32x256xi32, #tpu.memory_space<vmem>> -> memref<1x64xi32, #tpu.memory_space<vmem>>
    %dma_start3A_19 = tpu.memref_squeeze %dma_start3A_18 : memref<1x64xi32, #tpu.memory_space<vmem>> -> memref<64xi32, #tpu.memory_space<vmem>>
    %dma_start3A_20 = arith.constant 0 : i32
    %dma_start3A_21 = arith.constant 0 : i32
    %dma_start3A_22 = tpu.memref_slice %arg3[%dma_start3A_20, %dma_start3A_21] : memref<100000x128xf32, #tpu.memory_space<hbm>> -> memref<100000x128xf32, #tpu.memory_space<hbm>>
    tpu.enqueue_indirect_dma source(%dma_start3A_22 : memref<100000x128xf32, #tpu.memory_space<hbm>>) target(%arg6 : memref<64x128xf32, #tpu.memory_space<vmem>>) offsets(%dma_start3A_19 : memref<64xi32, #tpu.memory_space<vmem>>) semaphore(%arg9 : memref<!tpu.dma_semaphore, #tpu.memory_space<semaphore_mem>>) {add = true}
    %dma_start3A_23 = arith.constant 0 : i32
    %dma_start3A_24 = arith.constant 128 : i32
    %dma_start3A_25 = tpu.memref_slice %arg5[%dma_start3A_23, %dma_start3A_24] : memref<32x256xi32, #tpu.memory_space<vmem>> -> memref<1x64xi32, #tpu.memory_space<vmem>>
    %dma_start3A_26 = tpu.memref_squeeze %dma_start3A_25 : memref<1x64xi32, #tpu.memory_space<vmem>> -> memref<64xi32, #tpu.memory_space<vmem>>
    %dma_start3A_27 = arith.constant 0 : i32
    %dma_start3A_28 = arith.constant 0 : i32
    %dma_start3A_29 = tpu.memref_slice %arg3[%dma_start3A_27, %dma_start3A_28] : memref<100000x128xf32, #tpu.memory_space<hbm>> -> memref<100000x128xf32, #tpu.memory_space<hbm>>
    tpu.enqueue_indirect_dma source(%dma_start3A_29 : memref<100000x128xf32, #tpu.memory_space<hbm>>) target(%arg6 : memref<64x128xf32, #tpu.memory_space<vmem>>) offsets(%dma_start3A_26 : memref<64xi32, #tpu.memory_space<vmem>>) semaphore(%arg9 : memref<!tpu.dma_semaphore, #tpu.memory_space<semaphore_mem>>) {add = true}
    %dma_start3A_30 = arith.constant 0 : i32
    %dma_start3A_31 = arith.constant 192 : i32
    %dma_start3A_32 = tpu.memref_slice %arg5[%dma_start3A_30, %dma_start3A_31] : memref<32x256xi32, #tpu.memory_space<vmem>> -> memref<1x64xi32, #tpu.memory_space<vmem>>
    %dma_start3A_33 = tpu.memref_squeeze %dma_start3A_32 : memref<1x64xi32, #tpu.memory_space<vmem>> -> memref<64xi32, #tpu.memory_space<vmem>>
    %dma_start3A_34 = arith.constant 0 : i32
    %dma_start3A_35 = arith.constant 0 : i32
    %dma_start3A_36 = tpu.memref_slice %arg3[%dma_start3A_34, %dma_start3A_35] : memref<100000x128xf32, #tpu.memory_space<hbm>> -> memref<100000x128xf32, #tpu.memory_space<hbm>>
    tpu.enqueue_indirect_dma source(%dma_start3A_36 : memref<100000x128xf32, #tpu.memory_space<hbm>>) target(%arg6 : memref<64x128xf32, #tpu.memory_space<vmem>>) offsets(%dma_start3A_33 : memref<64xi32, #tpu.memory_space<vmem>>) semaphore(%arg9 : memref<!tpu.dma_semaphore, #tpu.memory_space<semaphore_mem>>) {add = true}
    %scan3A_37 = arith.constant 0 : i32
    %scan3A_38 = arith.constant 0 : i32
    %scan3A_39 = arith.constant 64 : i32
    %scan3A_40 = arith.addi %scan3A_38, %scan3A_39 : i32
    %scan3A_41 = arith.constant 1 : i32
    %scan3A_42 = scf.for %scan3A_51 = %scan3A_38 to %scan3A_40 step %scan3A_41 iter_args(%scan3A_52 = %scan3A_37) -> (i32)  : i32 {
      %swap3A = arith.index_cast %scan3A_51 : i32 to index
      %swap3A_53 = arith.constant 0 : index
      %swap3A_54 = tpu.vector_load %arg7[%swap3A, %swap3A_53] {strides = array<i32>} : memref<64x128xf32, #tpu.memory_space<vmem>>, vector<1x16xf32>,
      %swap3A_55 = vector.shape_cast %swap3A_54 : vector<1x16xf32> to vector<16xf32>
      %swap3A_56 = vector.shape_cast %broadcast_in_dim3A_3 : vector<16xf32> to vector<1x16xf32>
      tpu.vector_store %arg7[%swap3A, %swap3A_53], %swap3A_56 {strides = array<i32>} : memref<64x128xf32, #tpu.memory_space<vmem>>, vector<1x16xf32>,
      %swap3A_57 = arith.index_cast %scan3A_51 : i32 to index
      %swap3A_58 = arith.constant 16 : index
      %swap3A_59 = tpu.vector_load %arg7[%swap3A_57, %swap3A_58] {strides = array<i32>} : memref<64x128xf32, #tpu.memory_space<vmem>>, vector<1x16xf32>,
      %swap3A_60 = vector.shape_cast %swap3A_59 : vector<1x16xf32> to vector<16xf32>
      %swap3A_61 = vector.shape_cast %broadcast_in_dim3A_3 : vector<16xf32> to vector<1x16xf32>
      tpu.vector_store %arg7[%swap3A_57, %swap3A_58], %swap3A_61 {strides = array<i32>} : memref<64x128xf32, #tpu.memory_space<vmem>>, vector<1x16xf32>,
      %swap3A_62 = arith.index_cast %scan3A_51 : i32 to index
      %swap3A_63 = arith.constant 32 : index
      %swap3A_64 = tpu.vector_load %arg7[%swap3A_62, %swap3A_63] {strides = array<i32>} : memref<64x128xf32, #tpu.memory_space<vmem>>, vector<1x16xf32>,
      %swap3A_65 = vector.shape_cast %swap3A_64 : vector<1x16xf32> to vector<16xf32>
      %swap3A_66 = vector.shape_cast %broadcast_in_dim3A_3 : vector<16xf32> to vector<1x16xf32>
      tpu.vector_store %arg7[%swap3A_62, %swap3A_63], %swap3A_66 {strides = array<i32>} : memref<64x128xf32, #tpu.memory_space<vmem>>, vector<1x16xf32>,
      %swap3A_67 = arith.index_cast %scan3A_51 : i32 to index
      %swap3A_68 = arith.constant 48 : index
      %swap3A_69 = tpu.vector_load %arg7[%swap3A_67, %swap3A_68] {strides = array<i32>} : memref<64x128xf32, #tpu.memory_space<vmem>>, vector<1x16xf32>,
      %swap3A_70 = vector.shape_cast %swap3A_69 : vector<1x16xf32> to vector<16xf32>
      %swap3A_71 = vector.shape_cast %broadcast_in_dim3A_3 : vector<16xf32> to vector<1x16xf32>
      tpu.vector_store %arg7[%swap3A_67, %swap3A_68], %swap3A_71 {strides = array<i32>} : memref<64x128xf32, #tpu.memory_space<vmem>>, vector<1x16xf32>,
      %swap3A_72 = arith.index_cast %scan3A_51 : i32 to index
      %swap3A_73 = arith.constant 64 : index
      %swap3A_74 = tpu.vector_load %arg7[%swap3A_72, %swap3A_73] {strides = array<i32>} : memref<64x128xf32, #tpu.memory_space<vmem>>, vector<1x16xf32>,
      %swap3A_75 = vector.shape_cast %swap3A_74 : vector<1x16xf32> to vector<16xf32>
      %swap3A_76 = vector.shape_cast %broadcast_in_dim3A_3 : vector<16xf32> to vector<1x16xf32>
      tpu.vector_store %arg7[%swap3A_72, %swap3A_73], %swap3A_76 {strides = array<i32>} : memref<64x128xf32, #tpu.memory_space<vmem>>, vector<1x16xf32>,
      %swap3A_77 = arith.index_cast %scan3A_51 : i32 to index
      %swap3A_78 = arith.constant 80 : index
      %swap3A_79 = tpu.vector_load %arg7[%swap3A_77, %swap3A_78] {strides = array<i32>} : memref<64x128xf32, #tpu.memory_space<vmem>>, vector<1x16xf32>,
      %swap3A_80 = vector.shape_cast %swap3A_79 : vector<1x16xf32> to vector<16xf32>
      %swap3A_81 = vector.shape_cast %broadcast_in_dim3A_3 : vector<16xf32> to vector<1x16xf32>
      tpu.vector_store %arg7[%swap3A_77, %swap3A_78], %swap3A_81 {strides = array<i32>} : memref<64x128xf32, #tpu.memory_space<vmem>>, vector<1x16xf32>,
      %swap3A_82 = arith.index_cast %scan3A_51 : i32 to index
      %swap3A_83 = arith.constant 96 : index
      %swap3A_84 = tpu.vector_load %arg7[%swap3A_82, %swap3A_83] {strides = array<i32>} : memref<64x128xf32, #tpu.memory_space<vmem>>, vector<1x16xf32>,
      %swap3A_85 = vector.shape_cast %swap3A_84 : vector<1x16xf32> to vector<16xf32>
      %swap3A_86 = vector.shape_cast %broadcast_in_dim3A_3 : vector<16xf32> to vector<1x16xf32>
      tpu.vector_store %arg7[%swap3A_82, %swap3A_83], %swap3A_86 {strides = array<i32>} : memref<64x128xf32, #tpu.memory_space<vmem>>, vector<1x16xf32>,
      %swap3A_87 = arith.index_cast %scan3A_51 : i32 to index
      %swap3A_88 = arith.constant 112 : index
      %swap3A_89 = tpu.vector_load %arg7[%swap3A_87, %swap3A_88] {strides = array<i32>} : memref<64x128xf32, #tpu.memory_space<vmem>>, vector<1x16xf32>,
      %swap3A_90 = vector.shape_cast %swap3A_89 : vector<1x16xf32> to vector<16xf32>
      %swap3A_91 = vector.shape_cast %broadcast_in_dim3A_3 : vector<16xf32> to vector<1x16xf32>
      tpu.vector_store %arg7[%swap3A_87, %swap3A_88], %swap3A_91 {strides = array<i32>} : memref<64x128xf32, #tpu.memory_space<vmem>>, vector<1x16xf32>,
      %scan3A_92 = arith.constant 0 : i32
      scf.yield %scan3A_92 : i32
    }
    %scan3A_43 = arith.constant 64 : i32
    %scan3A_44 = arith.constant 0 : i32
    %scan3A_45 = arith.constant 0 : i32
    %scan3A_46 = arith.constant 16 : i32
    %scan3A_47 = arith.addi %scan3A_45, %scan3A_46 : i32
    %scan3A_48 = arith.constant 1 : i32
    %scan3A_49 = scf.for %scan3A_51 = %scan3A_45 to %scan3A_47 step %scan3A_48 iter_args(%scan3A_52 = %scan3A_44) -> (i32)  : i32 {
      %mul3A_53 = arith.constant 2 : i32
      %mul3A_54 = arith.muli %mul3A_53, %scan3A_51 : i32
      %add3A_55 = arith.constant 1 : i32
      %add3A_56 = arith.addi %mul3A_54, %add3A_55 : i32
      %dma_start3A_57 = arith.constant 0 : i32
      %dma_start3A_58 = tpu.memref_slice %arg5[%add3A_56, %dma_start3A_57] : memref<32x256xi32, #tpu.memory_space<vmem>> -> memref<1x64xi32, #tpu.memory_space<vmem>>
      %dma_start3A_59 = tpu.memref_squeeze %dma_start3A_58 : memref<1x64xi32, #tpu.memory_space<vmem>> -> memref<64xi32, #tpu.memory_space<vmem>>
      %dma_start3A_60 = arith.constant 0 : i32
      %dma_start3A_61 = arith.constant 0 : i32
      %dma_start3A_62 = tpu.memref_slice %arg3[%dma_start3A_60, %dma_start3A_61] : memref<100000x128xf32, #tpu.memory_space<hbm>> -> memref<100000x128xf32, #tpu.memory_space<hbm>>
      tpu.enqueue_indirect_dma source(%dma_start3A_62 : memref<100000x128xf32, #tpu.memory_space<hbm>>) target(%arg7 : memref<64x128xf32, #tpu.memory_space<vmem>>) offsets(%dma_start3A_59 : memref<64xi32, #tpu.memory_space<vmem>>) semaphore(%arg10 : memref<!tpu.dma_semaphore, #tpu.memory_space<semaphore_mem>>) {add = true}
      %dma_start3A_63 = arith.constant 64 : i32
      %dma_start3A_64 = tpu.memref_slice %arg5[%add3A_56, %dma_start3A_63] : memref<32x256xi32, #tpu.memory_space<vmem>> -> memref<1x64xi32, #tpu.memory_space<vmem>>
      %dma_start3A_65 = tpu.memref_squeeze %dma_start3A_64 : memref<1x64xi32, #tpu.memory_space<vmem>> -> memref<64xi32, #tpu.memory_space<vmem>>
      %dma_start3A_66 = arith.constant 0 : i32
      %dma_start3A_67 = arith.constant 0 : i32
      %dma_start3A_68 = tpu.memref_slice %arg3[%dma_start3A_66, %dma_start3A_67] : memref<100000x128xf32, #tpu.memory_space<hbm>> -> memref<100000x128xf32, #tpu.memory_space<hbm>>
      tpu.enqueue_indirect_dma source(%dma_start3A_68 : memref<100000x128xf32, #tpu.memory_space<hbm>>) target(%arg7 : memref<64x128xf32, #tpu.memory_space<vmem>>) offsets(%dma_start3A_65 : memref<64xi32, #tpu.memory_space<vmem>>) semaphore(%arg10 : memref<!tpu.dma_semaphore, #tpu.memory_space<semaphore_mem>>) {add = true}
      %dma_start3A_69 = arith.constant 128 : i32
      %dma_start3A_70 = tpu.memref_slice %arg5[%add3A_56, %dma_start3A_69] : memref<32x256xi32, #tpu.memory_space<vmem>> -> memref<1x64xi32, #tpu.memory_space<vmem>>
      %dma_start3A_71 = tpu.memref_squeeze %dma_start3A_70 : memref<1x64xi32, #tpu.memory_space<vmem>> -> memref<64xi32, #tpu.memory_space<vmem>>
      %dma_start3A_72 = arith.constant 0 : i32
      %dma_start3A_73 = arith.constant 0 : i32
      %dma_start3A_74 = tpu.memref_slice %arg3[%dma_start3A_72, %dma_start3A_73] : memref<100000x128xf32, #tpu.memory_space<hbm>> -> memref<100000x128xf32, #tpu.memory_space<hbm>>
      tpu.enqueue_indirect_dma source(%dma_start3A_74 : memref<100000x128xf32, #tpu.memory_space<hbm>>) target(%arg7 : memref<64x128xf32, #tpu.memory_space<vmem>>) offsets(%dma_start3A_71 : memref<64xi32, #tpu.memory_space<vmem>>) semaphore(%arg10 : memref<!tpu.dma_semaphore, #tpu.memory_space<semaphore_mem>>) {add = true}
      %dma_start3A_75 = arith.constant 192 : i32
      %dma_start3A_76 = tpu.memref_slice %arg5[%add3A_56, %dma_start3A_75] : memref<32x256xi32, #tpu.memory_space<vmem>> -> memref<1x64xi32, #tpu.memory_space<vmem>>
      %dma_start3A_77 = tpu.memref_squeeze %dma_start3A_76 : memref<1x64xi32, #tpu.memory_space<vmem>> -> memref<64xi32, #tpu.memory_space<vmem>>
      %dma_start3A_78 = arith.constant 0 : i32
      %dma_start3A_79 = arith.constant 0 : i32
      %dma_start3A_80 = tpu.memref_slice %arg3[%dma_start3A_78, %dma_start3A_79] : memref<100000x128xf32, #tpu.memory_space<hbm>> -> memref<100000x128xf32, #tpu.memory_space<hbm>>
      tpu.enqueue_indirect_dma source(%dma_start3A_80 : memref<100000x128xf32, #tpu.memory_space<hbm>>) target(%arg7 : memref<64x128xf32, #tpu.memory_space<vmem>>) offsets(%dma_start3A_77 : memref<64xi32, #tpu.memory_space<vmem>>) semaphore(%arg10 : memref<!tpu.dma_semaphore, #tpu.memory_space<semaphore_mem>>) {add = true}
      %dma_wait3A = arith.constant 0 : i32
      %dma_wait3A_81 = tpu.memref_slice %arg5[%mul3A_54, %dma_wait3A] : memref<32x256xi32, #tpu.memory_space<vmem>> -> memref<1x64xi32, #tpu.memory_space<vmem>>
      %dma_wait3A_82 = tpu.memref_squeeze %dma_wait3A_81 : memref<1x64xi32, #tpu.memory_space<vmem>> -> memref<64xi32, #tpu.memory_space<vmem>>
      %dma_wait3A_83 = arith.constant 0 : i32
      %dma_wait3A_84 = arith.constant 0 : i32
      %dma_wait3A_85 = tpu.memref_slice %arg3[%dma_wait3A_83, %dma_wait3A_84] : memref<100000x128xf32, #tpu.memory_space<hbm>> -> memref<100000x128xf32, #tpu.memory_space<hbm>>
      tpu.wait_indirect_dma semaphore(%arg9 : memref<!tpu.dma_semaphore, #tpu.memory_space<semaphore_mem>>) src(%dma_wait3A_85 : memref<100000x128xf32, #tpu.memory_space<hbm>>) dst(%arg6 : memref<64x128xf32, #tpu.memory_space<vmem>>)
      %dma_wait3A_86 = arith.constant 64 : i32
      %dma_wait3A_87 = tpu.memref_slice %arg5[%mul3A_54, %dma_wait3A_86] : memref<32x256xi32, #tpu.memory_space<vmem>> -> memref<1x64xi32, #tpu.memory_space<vmem>>
      %dma_wait3A_88 = tpu.memref_squeeze %dma_wait3A_87 : memref<1x64xi32, #tpu.memory_space<vmem>> -> memref<64xi32, #tpu.memory_space<vmem>>
      %dma_wait3A_89 = arith.constant 0 : i32
      %dma_wait3A_90 = arith.constant 0 : i32
      %dma_wait3A_91 = tpu.memref_slice %arg3[%dma_wait3A_89, %dma_wait3A_90] : memref<100000x128xf32, #tpu.memory_space<hbm>> -> memref<100000x128xf32, #tpu.memory_space<hbm>>
      tpu.wait_indirect_dma semaphore(%arg9 : memref<!tpu.dma_semaphore, #tpu.memory_space<semaphore_mem>>) src(%dma_wait3A_91 : memref<100000x128xf32, #tpu.memory_space<hbm>>) dst(%arg6 : memref<64x128xf32, #tpu.memory_space<vmem>>)
      %dma_wait3A_92 = arith.constant 128 : i32
      %dma_wait3A_93 = tpu.memref_slice %arg5[%mul3A_54, %dma_wait3A_92] : memref<32x256xi32, #tpu.memory_space<vmem>> -> memref<1x64xi32, #tpu.memory_space<vmem>>
      %dma_wait3A_94 = tpu.memref_squeeze %dma_wait3A_93 : memref<1x64xi32, #tpu.memory_space<vmem>> -> memref<64xi32, #tpu.memory_space<vmem>>
      %dma_wait3A_95 = arith.constant 0 : i32
      %dma_wait3A_96 = arith.constant 0 : i32
      %dma_wait3A_97 = tpu.memref_slice %arg3[%dma_wait3A_95, %dma_wait3A_96] : memref<100000x128xf32, #tpu.memory_space<hbm>> -> memref<100000x128xf32, #tpu.memory_space<hbm>>
      tpu.wait_indirect_dma semaphore(%arg9 : memref<!tpu.dma_semaphore, #tpu.memory_space<semaphore_mem>>) src(%dma_wait3A_97 : memref<100000x128xf32, #tpu.memory_space<hbm>>) dst(%arg6 : memref<64x128xf32, #tpu.memory_space<vmem>>)
      %dma_wait3A_98 = arith.constant 192 : i32
      %dma_wait3A_99 = tpu.memref_slice %arg5[%mul3A_54, %dma_wait3A_98] : memref<32x256xi32, #tpu.memory_space<vmem>> -> memref<1x64xi32, #tpu.memory_space<vmem>>
      %dma_wait3A_100 = tpu.memref_squeeze %dma_wait3A_99 : memref<1x64xi32, #tpu.memory_space<vmem>> -> memref<64xi32, #tpu.memory_space<vmem>>
      %dma_wait3A_101 = arith.constant 0 : i32
      %dma_wait3A_102 = arith.constant 0 : i32
      %dma_wait3A_103 = tpu.memref_slice %arg3[%dma_wait3A_101, %dma_wait3A_102] : memref<100000x128xf32, #tpu.memory_space<hbm>> -> memref<100000x128xf32, #tpu.memory_space<hbm>>
      tpu.wait_indirect_dma semaphore(%arg9 : memref<!tpu.dma_semaphore, #tpu.memory_space<semaphore_mem>>) src(%dma_wait3A_103 : memref<100000x128xf32, #tpu.memory_space<hbm>>) dst(%arg6 : memref<64x128xf32, #tpu.memory_space<vmem>>)
      %broadcast_in_dim3A_104 = arith.constant 0.000000e+00 : f32
      %broadcast_in_dim3A_105 = vector.broadcast %broadcast_in_dim3A_104 : f32 to vector<16xf32>
      %broadcast_in_dim3A_106 = arith.constant 0.000000e+00 : f32
      %broadcast_in_dim3A_107 = vector.broadcast %broadcast_in_dim3A_106 : f32 to vector<16xf32>
      %broadcast_in_dim3A_108 = arith.constant 0.000000e+00 : f32
      %broadcast_in_dim3A_109 = vector.broadcast %broadcast_in_dim3A_108 : f32 to vector<16xf32>
      %broadcast_in_dim3A_110 = arith.constant 0.000000e+00 : f32
      %broadcast_in_dim3A_111 = vector.broadcast %broadcast_in_dim3A_110 : f32 to vector<16xf32>
      %broadcast_in_dim3A_112 = arith.constant 0.000000e+00 : f32
      %broadcast_in_dim3A_113 = vector.broadcast %broadcast_in_dim3A_112 : f32 to vector<16xf32>
      %broadcast_in_dim3A_114 = arith.constant 0.000000e+00 : f32
      %broadcast_in_dim3A_115 = vector.broadcast %broadcast_in_dim3A_114 : f32 to vector<16xf32>
      %broadcast_in_dim3A_116 = arith.constant 0.000000e+00 : f32
      %broadcast_in_dim3A_117 = vector.broadcast %broadcast_in_dim3A_116 : f32 to vector<16xf32>
      %broadcast_in_dim3A_118 = arith.constant 0.000000e+00 : f32
      %broadcast_in_dim3A_119 = vector.broadcast %broadcast_in_dim3A_118 : f32 to vector<16xf32>
      %scan3A_120 = arith.constant 0 : i32
      %scan3A_121 = arith.constant 64 : i32
      %scan3A_122 = arith.addi %scan3A_120, %scan3A_121 : i32
      %scan3A_123 = arith.constant 1 : i32
      %scan3A_124:8 = scf.for %scan3A_256 = %scan3A_120 to %scan3A_122 step %scan3A_123 iter_args(%scan3A_257 = %broadcast_in_dim3A_105, %scan3A_258 = %broadcast_in_dim3A_107, %scan3A_259 = %broadcast_in_dim3A_109, %scan3A_260 = %broadcast_in_dim3A_111, %scan3A_261 = %broadcast_in_dim3A_113, %scan3A_262 = %broadcast_in_dim3A_115, %scan3A_263 = %broadcast_in_dim3A_117, %scan3A_264 = %broadcast_in_dim3A_119) -> (vector<16xf32>, vector<16xf32>, vector<16xf32>, vector<16xf32>, vector<16xf32>, vector<16xf32>, vector<16xf32>, vector<16xf32>)  : i32 {
        %get3A = arith.index_cast %scan3A_256 : i32 to index
        %get3A_265 = arith.constant 0 : index
        %get3A_266 = tpu.vector_load %arg6[%get3A, %get3A_265] {strides = array<i32>} : memref<64x128xf32, #tpu.memory_space<vmem>>, vector<1x16xf32>,
        %get3A_267 = vector.shape_cast %get3A_266 : vector<1x16xf32> to vector<16xf32>
        %add3A_268 = arith.addf %scan3A_257, %get3A_267 : vector<16xf32>
        %get3A_269 = arith.index_cast %scan3A_256 : i32 to index
        %get3A_270 = arith.constant 16 : index
        %get3A_271 = tpu.vector_load %arg6[%get3A_269, %get3A_270] {strides = array<i32>} : memref<64x128xf32, #tpu.memory_space<vmem>>, vector<1x16xf32>,
        %get3A_272 = vector.shape_cast %get3A_271 : vector<1x16xf32> to vector<16xf32>
        %add3A_273 = arith.addf %scan3A_258, %get3A_272 : vector<16xf32>
        %get3A_274 = arith.index_cast %scan3A_256 : i32 to index
        %get3A_275 = arith.constant 32 : index
        %get3A_276 = tpu.vector_load %arg6[%get3A_274, %get3A_275] {strides = array<i32>} : memref<64x128xf32, #tpu.memory_space<vmem>>, vector<1x16xf32>,
        %get3A_277 = vector.shape_cast %get3A_276 : vector<1x16xf32> to vector<16xf32>
        %add3A_278 = arith.addf %scan3A_259, %get3A_277 : vector<16xf32>
        %get3A_279 = arith.index_cast %scan3A_256 : i32 to index
        %get3A_280 = arith.constant 48 : index
        %get3A_281 = tpu.vector_load %arg6[%get3A_279, %get3A_280] {strides = array<i32>} : memref<64x128xf32, #tpu.memory_space<vmem>>, vector<1x16xf32>,
        %get3A_282 = vector.shape_cast %get3A_281 : vector<1x16xf32> to vector<16xf32>
        %add3A_283 = arith.addf %scan3A_260, %get3A_282 : vector<16xf32>
        %get3A_284 = arith.index_cast %scan3A_256 : i32 to index
        %get3A_285 = arith.constant 64 : index
        %get3A_286 = tpu.vector_load %arg6[%get3A_284, %get3A_285] {strides = array<i32>} : memref<64x128xf32, #tpu.memory_space<vmem>>, vector<1x16xf32>,
        %get3A_287 = vector.shape_cast %get3A_286 : vector<1x16xf32> to vector<16xf32>
        %add3A_288 = arith.addf %scan3A_261, %get3A_287 : vector<16xf32>
        %get3A_289 = arith.index_cast %scan3A_256 : i32 to index
        %get3A_290 = arith.constant 80 : index
        %get3A_291 = tpu.vector_load %arg6[%get3A_289, %get3A_290] {strides = array<i32>} : memref<64x128xf32, #tpu.memory_space<vmem>>, vector<1x16xf32>,
        %get3A_292 = vector.shape_cast %get3A_291 : vector<1x16xf32> to vector<16xf32>
        %add3A_293 = arith.addf %scan3A_262, %get3A_292 : vector<16xf32>
        %get3A_294 = arith.index_cast %scan3A_256 : i32 to index
        %get3A_295 = arith.constant 96 : index
        %get3A_296 = tpu.vector_load %arg6[%get3A_294, %get3A_295] {strides = array<i32>} : memref<64x128xf32, #tpu.memory_space<vmem>>, vector<1x16xf32>,
        %get3A_297 = vector.shape_cast %get3A_296 : vector<1x16xf32> to vector<16xf32>
        %add3A_298 = arith.addf %scan3A_263, %get3A_297 : vector<16xf32>
        %get3A_299 = arith.index_cast %scan3A_256 : i32 to index
        %get3A_300 = arith.constant 112 : index
        %get3A_301 = tpu.vector_load %arg6[%get3A_299, %get3A_300] {strides = array<i32>} : memref<64x128xf32, #tpu.memory_space<vmem>>, vector<1x16xf32>,
        %get3A_302 = vector.shape_cast %get3A_301 : vector<1x16xf32> to vector<16xf32>
        %add3A_303 = arith.addf %scan3A_264, %get3A_302 : vector<16xf32>
        %swap3A_304 = arith.index_cast %scan3A_256 : i32 to index
        %swap3A_305 = arith.constant 0 : index
        %swap3A_306 = tpu.vector_load %arg6[%swap3A_304, %swap3A_305] {strides = array<i32>} : memref<64x128xf32, #tpu.memory_space<vmem>>, vector<1x16xf32>,
        %swap3A_307 = vector.shape_cast %swap3A_306 : vector<1x16xf32> to vector<16xf32>
        %swap3A_308 = vector.shape_cast %broadcast_in_dim3A_3 : vector<16xf32> to vector<1x16xf32>
        tpu.vector_store %arg6[%swap3A_304, %swap3A_305], %swap3A_308 {strides = array<i32>} : memref<64x128xf32, #tpu.memory_space<vmem>>, vector<1x16xf32>,
        %swap3A_309 = arith.index_cast %scan3A_256 : i32 to index
        %swap3A_310 = arith.constant 16 : index
        %swap3A_311 = tpu.vector_load %arg6[%swap3A_309, %swap3A_310] {strides = array<i32>} : memref<64x128xf32, #tpu.memory_space<vmem>>, vector<1x16xf32>,
        %swap3A_312 = vector.shape_cast %swap3A_311 : vector<1x16xf32> to vector<16xf32>
        %swap3A_313 = vector.shape_cast %broadcast_in_dim3A_3 : vector<16xf32> to vector<1x16xf32>
        tpu.vector_store %arg6[%swap3A_309, %swap3A_310], %swap3A_313 {strides = array<i32>} : memref<64x128xf32, #tpu.memory_space<vmem>>, vector<1x16xf32>,
        %swap3A_314 = arith.index_cast %scan3A_256 : i32 to index
        %swap3A_315 = arith.constant 32 : index
        %swap3A_316 = tpu.vector_load %arg6[%swap3A_314, %swap3A_315] {strides = array<i32>} : memref<64x128xf32, #tpu.memory_space<vmem>>, vector<1x16xf32>,
        %swap3A_317 = vector.shape_cast %swap3A_316 : vector<1x16xf32> to vector<16xf32>
        %swap3A_318 = vector.shape_cast %broadcast_in_dim3A_3 : vector<16xf32> to vector<1x16xf32>
        tpu.vector_store %arg6[%swap3A_314, %swap3A_315], %swap3A_318 {strides = array<i32>} : memref<64x128xf32, #tpu.memory_space<vmem>>, vector<1x16xf32>,
        %swap3A_319 = arith.index_cast %scan3A_256 : i32 to index
        %swap3A_320 = arith.constant 48 : index
        %swap3A_321 = tpu.vector_load %arg6[%swap3A_319, %swap3A_320] {strides = array<i32>} : memref<64x128xf32, #tpu.memory_space<vmem>>, vector<1x16xf32>,
        %swap3A_322 = vector.shape_cast %swap3A_321 : vector<1x16xf32> to vector<16xf32>
        %swap3A_323 = vector.shape_cast %broadcast_in_dim3A_3 : vector<16xf32> to vector<1x16xf32>
        tpu.vector_store %arg6[%swap3A_319, %swap3A_320], %swap3A_323 {strides = array<i32>} : memref<64x128xf32, #tpu.memory_space<vmem>>, vector<1x16xf32>,
        %swap3A_324 = arith.index_cast %scan3A_256 : i32 to index
        %swap3A_325 = arith.constant 64 : index
        %swap3A_326 = tpu.vector_load %arg6[%swap3A_324, %swap3A_325] {strides = array<i32>} : memref<64x128xf32, #tpu.memory_space<vmem>>, vector<1x16xf32>,
        %swap3A_327 = vector.shape_cast %swap3A_326 : vector<1x16xf32> to vector<16xf32>
        %swap3A_328 = vector.shape_cast %broadcast_in_dim3A_3 : vector<16xf32> to vector<1x16xf32>
        tpu.vector_store %arg6[%swap3A_324, %swap3A_325], %swap3A_328 {strides = array<i32>} : memref<64x128xf32, #tpu.memory_space<vmem>>, vector<1x16xf32>,
        %swap3A_329 = arith.index_cast %scan3A_256 : i32 to index
        %swap3A_330 = arith.constant 80 : index
        %swap3A_331 = tpu.vector_load %arg6[%swap3A_329, %swap3A_330] {strides = array<i32>} : memref<64x128xf32, #tpu.memory_space<vmem>>, vector<1x16xf32>,
        %swap3A_332 = vector.shape_cast %swap3A_331 : vector<1x16xf32> to vector<16xf32>
        %swap3A_333 = vector.shape_cast %broadcast_in_dim3A_3 : vector<16xf32> to vector<1x16xf32>
        tpu.vector_store %arg6[%swap3A_329, %swap3A_330], %swap3A_333 {strides = array<i32>} : memref<64x128xf32, #tpu.memory_space<vmem>>, vector<1x16xf32>,
        %swap3A_334 = arith.index_cast %scan3A_256 : i32 to index
        %swap3A_335 = arith.constant 96 : index
        %swap3A_336 = tpu.vector_load %arg6[%swap3A_334, %swap3A_335] {strides = array<i32>} : memref<64x128xf32, #tpu.memory_space<vmem>>, vector<1x16xf32>,
        %swap3A_337 = vector.shape_cast %swap3A_336 : vector<1x16xf32> to vector<16xf32>
        %swap3A_338 = vector.shape_cast %broadcast_in_dim3A_3 : vector<16xf32> to vector<1x16xf32>
        tpu.vector_store %arg6[%swap3A_334, %swap3A_335], %swap3A_338 {strides = array<i32>} : memref<64x128xf32, #tpu.memory_space<vmem>>, vector<1x16xf32>,
        %swap3A_339 = arith.index_cast %scan3A_256 : i32 to index
        %swap3A_340 = arith.constant 112 : index
        %swap3A_341 = tpu.vector_load %arg6[%swap3A_339, %swap3A_340] {strides = array<i32>} : memref<64x128xf32, #tpu.memory_space<vmem>>, vector<1x16xf32>,
        %swap3A_342 = vector.shape_cast %swap3A_341 : vector<1x16xf32> to vector<16xf32>
        %swap3A_343 = vector.shape_cast %broadcast_in_dim3A_3 : vector<16xf32> to vector<1x16xf32>
        tpu.vector_store %arg6[%swap3A_339, %swap3A_340], %swap3A_343 {strides = array<i32>} : memref<64x128xf32, #tpu.memory_space<vmem>>, vector<1x16xf32>,
        scf.yield %add3A_268, %add3A_273, %add3A_278, %add3A_283, %add3A_288, %add3A_293, %add3A_298, %add3A_303 : vector<16xf32>, vector<16xf32>, vector<16xf32>, vector<16xf32>, vector<16xf32>, vector<16xf32>, vector<16xf32>, vector<16xf32>
      }
      %scan3A_125 = arith.constant 64 : i32
      %swap3A = arith.index_cast %mul3A_54 : i32 to index
      %swap3A_126 = arith.constant 0 : index
      %swap3A_127 = tpu.vector_load %arg8[%swap3A, %swap3A_126] {strides = array<i32>} : memref<32x128xf32, #tpu.memory_space<vmem>>, vector<1x16xf32>,
      %swap3A_128 = vector.shape_cast %swap3A_127 : vector<1x16xf32> to vector<16xf32>
      %swap3A_129 = vector.shape_cast %scan3A_124#0 : vector<16xf32> to vector<1x16xf32>
      tpu.vector_store %arg8[%swap3A, %swap3A_126], %swap3A_129 {strides = array<i32>} : memref<32x128xf32, #tpu.memory_space<vmem>>, vector<1x16xf32>,
      %swap3A_130 = arith.index_cast %mul3A_54 : i32 to index
      %swap3A_131 = arith.constant 16 : index
      %swap3A_132 = tpu.vector_load %arg8[%swap3A_130, %swap3A_131] {strides = array<i32>} : memref<32x128xf32, #tpu.memory_space<vmem>>, vector<1x16xf32>,
      %swap3A_133 = vector.shape_cast %swap3A_132 : vector<1x16xf32> to vector<16xf32>
      %swap3A_134 = vector.shape_cast %scan3A_124#1 : vector<16xf32> to vector<1x16xf32>
      tpu.vector_store %arg8[%swap3A_130, %swap3A_131], %swap3A_134 {strides = array<i32>} : memref<32x128xf32, #tpu.memory_space<vmem>>, vector<1x16xf32>,
      %swap3A_135 = arith.index_cast %mul3A_54 : i32 to index
      %swap3A_136 = arith.constant 32 : index
      %swap3A_137 = tpu.vector_load %arg8[%swap3A_135, %swap3A_136] {strides = array<i32>} : memref<32x128xf32, #tpu.memory_space<vmem>>, vector<1x16xf32>,
      %swap3A_138 = vector.shape_cast %swap3A_137 : vector<1x16xf32> to vector<16xf32>
      %swap3A_139 = vector.shape_cast %scan3A_124#2 : vector<16xf32> to vector<1x16xf32>
      tpu.vector_store %arg8[%swap3A_135, %swap3A_136], %swap3A_139 {strides = array<i32>} : memref<32x128xf32, #tpu.memory_space<vmem>>, vector<1x16xf32>,
      %swap3A_140 = arith.index_cast %mul3A_54 : i32 to index
      %swap3A_141 = arith.constant 48 : index
      %swap3A_142 = tpu.vector_load %arg8[%swap3A_140, %swap3A_141] {strides = array<i32>} : memref<32x128xf32, #tpu.memory_space<vmem>>, vector<1x16xf32>,
      %swap3A_143 = vector.shape_cast %swap3A_142 : vector<1x16xf32> to vector<16xf32>
      %swap3A_144 = vector.shape_cast %scan3A_124#3 : vector<16xf32> to vector<1x16xf32>
      tpu.vector_store %arg8[%swap3A_140, %swap3A_141], %swap3A_144 {strides = array<i32>} : memref<32x128xf32, #tpu.memory_space<vmem>>, vector<1x16xf32>,
      %swap3A_145 = arith.index_cast %mul3A_54 : i32 to index
      %swap3A_146 = arith.constant 64 : index
      %swap3A_147 = tpu.vector_load %arg8[%swap3A_145, %swap3A_146] {strides = array<i32>} : memref<32x128xf32, #tpu.memory_space<vmem>>, vector<1x16xf32>,
      %swap3A_148 = vector.shape_cast %swap3A_147 : vector<1x16xf32> to vector<16xf32>
      %swap3A_149 = vector.shape_cast %scan3A_124#4 : vector<16xf32> to vector<1x16xf32>
      tpu.vector_store %arg8[%swap3A_145, %swap3A_146], %swap3A_149 {strides = array<i32>} : memref<32x128xf32, #tpu.memory_space<vmem>>, vector<1x16xf32>,
      %swap3A_150 = arith.index_cast %mul3A_54 : i32 to index
      %swap3A_151 = arith.constant 80 : index
      %swap3A_152 = tpu.vector_load %arg8[%swap3A_150, %swap3A_151] {strides = array<i32>} : memref<32x128xf32, #tpu.memory_space<vmem>>, vector<1x16xf32>,
      %swap3A_153 = vector.shape_cast %swap3A_152 : vector<1x16xf32> to vector<16xf32>
      %swap3A_154 = vector.shape_cast %scan3A_124#5 : vector<16xf32> to vector<1x16xf32>
      tpu.vector_store %arg8[%swap3A_150, %swap3A_151], %swap3A_154 {strides = array<i32>} : memref<32x128xf32, #tpu.memory_space<vmem>>, vector<1x16xf32>,
      %swap3A_155 = arith.index_cast %mul3A_54 : i32 to index
      %swap3A_156 = arith.constant 96 : index
      %swap3A_157 = tpu.vector_load %arg8[%swap3A_155, %swap3A_156] {strides = array<i32>} : memref<32x128xf32, #tpu.memory_space<vmem>>, vector<1x16xf32>,
      %swap3A_158 = vector.shape_cast %swap3A_157 : vector<1x16xf32> to vector<16xf32>
      %swap3A_159 = vector.shape_cast %scan3A_124#6 : vector<16xf32> to vector<1x16xf32>
      tpu.vector_store %arg8[%swap3A_155, %swap3A_156], %swap3A_159 {strides = array<i32>} : memref<32x128xf32, #tpu.memory_space<vmem>>, vector<1x16xf32>,
      %swap3A_160 = arith.index_cast %mul3A_54 : i32 to index
      %swap3A_161 = arith.constant 112 : index
      %swap3A_162 = tpu.vector_load %arg8[%swap3A_160, %swap3A_161] {strides = array<i32>} : memref<32x128xf32, #tpu.memory_space<vmem>>, vector<1x16xf32>,
      %swap3A_163 = vector.shape_cast %swap3A_162 : vector<1x16xf32> to vector<16xf32>
      %swap3A_164 = vector.shape_cast %scan3A_124#7 : vector<16xf32> to vector<1x16xf32>
      tpu.vector_store %arg8[%swap3A_160, %swap3A_161], %swap3A_164 {strides = array<i32>} : memref<32x128xf32, #tpu.memory_space<vmem>>, vector<1x16xf32>,
      %add3A_165 = arith.constant 2 : i32
      %add3A_166 = arith.addi %mul3A_54, %add3A_165 : i32
      %lt3A = arith.constant 32 : i32
      %lt3A_167 = arith.cmpi slt, %add3A_166, %lt3A : i32
      %convert_element_type3A = arith.extui %lt3A_167 : i1 to i32
      %cond3A = arith.constant 0 : i32
      %cond3A_168 = arith.cmpi ne, %convert_element_type3A, %cond3A : i32
      scf.if %cond3A_168 {
        %add3A_256 = arith.constant 2 : i32
        %add3A_257 = arith.addi %mul3A_54, %add3A_256 : i32
        %dma_start3A_258 = arith.constant 0 : i32
        %dma_start3A_259 = tpu.memref_slice %arg5[%add3A_257, %dma_start3A_258] : memref<32x256xi32, #tpu.memory_space<vmem>> -> memref<1x64xi32, #tpu.memory_space<vmem>>
        %dma_start3A_260 = tpu.memref_squeeze %dma_start3A_259 : memref<1x64xi32, #tpu.memory_space<vmem>> -> memref<64xi32, #tpu.memory_space<vmem>>
        %dma_start3A_261 = arith.constant 0 : i32
        %dma_start3A_262 = arith.constant 0 : i32
        %dma_start3A_263 = tpu.memref_slice %arg3[%dma_start3A_261, %dma_start3A_262] : memref<100000x128xf32, #tpu.memory_space<hbm>> -> memref<100000x128xf32, #tpu.memory_space<hbm>>
        tpu.enqueue_indirect_dma source(%dma_start3A_263 : memref<100000x128xf32, #tpu.memory_space<hbm>>) target(%arg6 : memref<64x128xf32, #tpu.memory_space<vmem>>) offsets(%dma_start3A_260 : memref<64xi32, #tpu.memory_space<vmem>>) semaphore(%arg9 : memref<!tpu.dma_semaphore, #tpu.memory_space<semaphore_mem>>) {add = true}
        %dma_start3A_264 = arith.constant 64 : i32
        %dma_start3A_265 = tpu.memref_slice %arg5[%add3A_257, %dma_start3A_264] : memref<32x256xi32, #tpu.memory_space<vmem>> -> memref<1x64xi32, #tpu.memory_space<vmem>>
        %dma_start3A_266 = tpu.memref_squeeze %dma_start3A_265 : memref<1x64xi32, #tpu.memory_space<vmem>> -> memref<64xi32, #tpu.memory_space<vmem>>
        %dma_start3A_267 = arith.constant 0 : i32
        %dma_start3A_268 = arith.constant 0 : i32
        %dma_start3A_269 = tpu.memref_slice %arg3[%dma_start3A_267, %dma_start3A_268] : memref<100000x128xf32, #tpu.memory_space<hbm>> -> memref<100000x128xf32, #tpu.memory_space<hbm>>
        tpu.enqueue_indirect_dma source(%dma_start3A_269 : memref<100000x128xf32, #tpu.memory_space<hbm>>) target(%arg6 : memref<64x128xf32, #tpu.memory_space<vmem>>) offsets(%dma_start3A_266 : memref<64xi32, #tpu.memory_space<vmem>>) semaphore(%arg9 : memref<!tpu.dma_semaphore, #tpu.memory_space<semaphore_mem>>) {add = true}
        %dma_start3A_270 = arith.constant 128 : i32
        %dma_start3A_271 = tpu.memref_slice %arg5[%add3A_257, %dma_start3A_270] : memref<32x256xi32, #tpu.memory_space<vmem>> -> memref<1x64xi32, #tpu.memory_space<vmem>>
        %dma_start3A_272 = tpu.memref_squeeze %dma_start3A_271 : memref<1x64xi32, #tpu.memory_space<vmem>> -> memref<64xi32, #tpu.memory_space<vmem>>
        %dma_start3A_273 = arith.constant 0 : i32
        %dma_start3A_274 = arith.constant 0 : i32
        %dma_start3A_275 = tpu.memref_slice %arg3[%dma_start3A_273, %dma_start3A_274] : memref<100000x128xf32, #tpu.memory_space<hbm>> -> memref<100000x128xf32, #tpu.memory_space<hbm>>
        tpu.enqueue_indirect_dma source(%dma_start3A_275 : memref<100000x128xf32, #tpu.memory_space<hbm>>) target(%arg6 : memref<64x128xf32, #tpu.memory_space<vmem>>) offsets(%dma_start3A_272 : memref<64xi32, #tpu.memory_space<vmem>>) semaphore(%arg9 : memref<!tpu.dma_semaphore, #tpu.memory_space<semaphore_mem>>) {add = true}
        %dma_start3A_276 = arith.constant 192 : i32
        %dma_start3A_277 = tpu.memref_slice %arg5[%add3A_257, %dma_start3A_276] : memref<32x256xi32, #tpu.memory_space<vmem>> -> memref<1x64xi32, #tpu.memory_space<vmem>>
        %dma_start3A_278 = tpu.memref_squeeze %dma_start3A_277 : memref<1x64xi32, #tpu.memory_space<vmem>> -> memref<64xi32, #tpu.memory_space<vmem>>
        %dma_start3A_279 = arith.constant 0 : i32
        %dma_start3A_280 = arith.constant 0 : i32
        %dma_start3A_281 = tpu.memref_slice %arg3[%dma_start3A_279, %dma_start3A_280] : memref<100000x128xf32, #tpu.memory_space<hbm>> -> memref<100000x128xf32, #tpu.memory_space<hbm>>
        tpu.enqueue_indirect_dma source(%dma_start3A_281 : memref<100000x128xf32, #tpu.memory_space<hbm>>) target(%arg6 : memref<64x128xf32, #tpu.memory_space<vmem>>) offsets(%dma_start3A_278 : memref<64xi32, #tpu.memory_space<vmem>>) semaphore(%arg9 : memref<!tpu.dma_semaphore, #tpu.memory_space<semaphore_mem>>) {add = true}
      } else {
      }
      %dma_wait3A_169 = arith.constant 0 : i32
      %dma_wait3A_170 = tpu.memref_slice %arg5[%add3A_56, %dma_wait3A_169] : memref<32x256xi32, #tpu.memory_space<vmem>> -> memref<1x64xi32, #tpu.memory_space<vmem>>
      %dma_wait3A_171 = tpu.memref_squeeze %dma_wait3A_170 : memref<1x64xi32, #tpu.memory_space<vmem>> -> memref<64xi32, #tpu.memory_space<vmem>>
      %dma_wait3A_172 = arith.constant 0 : i32
      %dma_wait3A_173 = arith.constant 0 : i32
      %dma_wait3A_174 = tpu.memref_slice %arg3[%dma_wait3A_172, %dma_wait3A_173] : memref<100000x128xf32, #tpu.memory_space<hbm>> -> memref<100000x128xf32, #tpu.memory_space<hbm>>
      tpu.wait_indirect_dma semaphore(%arg10 : memref<!tpu.dma_semaphore, #tpu.memory_space<semaphore_mem>>) src(%dma_wait3A_174 : memref<100000x128xf32, #tpu.memory_space<hbm>>) dst(%arg7 : memref<64x128xf32, #tpu.memory_space<vmem>>)
      %dma_wait3A_175 = arith.constant 64 : i32
      %dma_wait3A_176 = tpu.memref_slice %arg5[%add3A_56, %dma_wait3A_175] : memref<32x256xi32, #tpu.memory_space<vmem>> -> memref<1x64xi32, #tpu.memory_space<vmem>>
      %dma_wait3A_177 = tpu.memref_squeeze %dma_wait3A_176 : memref<1x64xi32, #tpu.memory_space<vmem>> -> memref<64xi32, #tpu.memory_space<vmem>>
      %dma_wait3A_178 = arith.constant 0 : i32
      %dma_wait3A_179 = arith.constant 0 : i32
      %dma_wait3A_180 = tpu.memref_slice %arg3[%dma_wait3A_178, %dma_wait3A_179] : memref<100000x128xf32, #tpu.memory_space<hbm>> -> memref<100000x128xf32, #tpu.memory_space<hbm>>
      tpu.wait_indirect_dma semaphore(%arg10 : memref<!tpu.dma_semaphore, #tpu.memory_space<semaphore_mem>>) src(%dma_wait3A_180 : memref<100000x128xf32, #tpu.memory_space<hbm>>) dst(%arg7 : memref<64x128xf32, #tpu.memory_space<vmem>>)
      %dma_wait3A_181 = arith.constant 128 : i32
      %dma_wait3A_182 = tpu.memref_slice %arg5[%add3A_56, %dma_wait3A_181] : memref<32x256xi32, #tpu.memory_space<vmem>> -> memref<1x64xi32, #tpu.memory_space<vmem>>
      %dma_wait3A_183 = tpu.memref_squeeze %dma_wait3A_182 : memref<1x64xi32, #tpu.memory_space<vmem>> -> memref<64xi32, #tpu.memory_space<vmem>>
      %dma_wait3A_184 = arith.constant 0 : i32
      %dma_wait3A_185 = arith.constant 0 : i32
      %dma_wait3A_186 = tpu.memref_slice %arg3[%dma_wait3A_184, %dma_wait3A_185] : memref<100000x128xf32, #tpu.memory_space<hbm>> -> memref<100000x128xf32, #tpu.memory_space<hbm>>
      tpu.wait_indirect_dma semaphore(%arg10 : memref<!tpu.dma_semaphore, #tpu.memory_space<semaphore_mem>>) src(%dma_wait3A_186 : memref<100000x128xf32, #tpu.memory_space<hbm>>) dst(%arg7 : memref<64x128xf32, #tpu.memory_space<vmem>>)
      %dma_wait3A_187 = arith.constant 192 : i32
      %dma_wait3A_188 = tpu.memref_slice %arg5[%add3A_56, %dma_wait3A_187] : memref<32x256xi32, #tpu.memory_space<vmem>> -> memref<1x64xi32, #tpu.memory_space<vmem>>
      %dma_wait3A_189 = tpu.memref_squeeze %dma_wait3A_188 : memref<1x64xi32, #tpu.memory_space<vmem>> -> memref<64xi32, #tpu.memory_space<vmem>>
      %dma_wait3A_190 = arith.constant 0 : i32
      %dma_wait3A_191 = arith.constant 0 : i32
      %dma_wait3A_192 = tpu.memref_slice %arg3[%dma_wait3A_190, %dma_wait3A_191] : memref<100000x128xf32, #tpu.memory_space<hbm>> -> memref<100000x128xf32, #tpu.memory_space<hbm>>
      tpu.wait_indirect_dma semaphore(%arg10 : memref<!tpu.dma_semaphore, #tpu.memory_space<semaphore_mem>>) src(%dma_wait3A_192 : memref<100000x128xf32, #tpu.memory_space<hbm>>) dst(%arg7 : memref<64x128xf32, #tpu.memory_space<vmem>>)
      %broadcast_in_dim3A_193 = arith.constant 0.000000e+00 : f32
      %broadcast_in_dim3A_194 = vector.broadcast %broadcast_in_dim3A_193 : f32 to vector<16xf32>
      %broadcast_in_dim3A_195 = arith.constant 0.000000e+00 : f32
      %broadcast_in_dim3A_196 = vector.broadcast %broadcast_in_dim3A_195 : f32 to vector<16xf32>
      %broadcast_in_dim3A_197 = arith.constant 0.000000e+00 : f32
      %broadcast_in_dim3A_198 = vector.broadcast %broadcast_in_dim3A_197 : f32 to vector<16xf32>
      %broadcast_in_dim3A_199 = arith.constant 0.000000e+00 : f32
      %broadcast_in_dim3A_200 = vector.broadcast %broadcast_in_dim3A_199 : f32 to vector<16xf32>
      %broadcast_in_dim3A_201 = arith.constant 0.000000e+00 : f32
      %broadcast_in_dim3A_202 = vector.broadcast %broadcast_in_dim3A_201 : f32 to vector<16xf32>
      %broadcast_in_dim3A_203 = arith.constant 0.000000e+00 : f32
      %broadcast_in_dim3A_204 = vector.broadcast %broadcast_in_dim3A_203 : f32 to vector<16xf32>
      %broadcast_in_dim3A_205 = arith.constant 0.000000e+00 : f32
      %broadcast_in_dim3A_206 = vector.broadcast %broadcast_in_dim3A_205 : f32 to vector<16xf32>
      %broadcast_in_dim3A_207 = arith.constant 0.000000e+00 : f32
      %broadcast_in_dim3A_208 = vector.broadcast %broadcast_in_dim3A_207 : f32 to vector<16xf32>
      %scan3A_209 = arith.constant 0 : i32
      %scan3A_210 = arith.constant 64 : i32
      %scan3A_211 = arith.addi %scan3A_209, %scan3A_210 : i32
      %scan3A_212 = arith.constant 1 : i32
      %scan3A_213:8 = scf.for %scan3A_256 = %scan3A_209 to %scan3A_211 step %scan3A_212 iter_args(%scan3A_257 = %broadcast_in_dim3A_194, %scan3A_258 = %broadcast_in_dim3A_196, %scan3A_259 = %broadcast_in_dim3A_198, %scan3A_260 = %broadcast_in_dim3A_200, %scan3A_261 = %broadcast_in_dim3A_202, %scan3A_262 = %broadcast_in_dim3A_204, %scan3A_263 = %broadcast_in_dim3A_206, %scan3A_264 = %broadcast_in_dim3A_208) -> (vector<16xf32>, vector<16xf32>, vector<16xf32>, vector<16xf32>, vector<16xf32>, vector<16xf32>, vector<16xf32>, vector<16xf32>)  : i32 {
        %get3A = arith.index_cast %scan3A_256 : i32 to index
        %get3A_265 = arith.constant 0 : index
        %get3A_266 = tpu.vector_load %arg7[%get3A, %get3A_265] {strides = array<i32>} : memref<64x128xf32, #tpu.memory_space<vmem>>, vector<1x16xf32>,
        %get3A_267 = vector.shape_cast %get3A_266 : vector<1x16xf32> to vector<16xf32>
        %add3A_268 = arith.addf %scan3A_257, %get3A_267 : vector<16xf32>
        %get3A_269 = arith.index_cast %scan3A_256 : i32 to index
        %get3A_270 = arith.constant 16 : index
        %get3A_271 = tpu.vector_load %arg7[%get3A_269, %get3A_270] {strides = array<i32>} : memref<64x128xf32, #tpu.memory_space<vmem>>, vector<1x16xf32>,
        %get3A_272 = vector.shape_cast %get3A_271 : vector<1x16xf32> to vector<16xf32>
        %add3A_273 = arith.addf %scan3A_258, %get3A_272 : vector<16xf32>
        %get3A_274 = arith.index_cast %scan3A_256 : i32 to index
        %get3A_275 = arith.constant 32 : index
        %get3A_276 = tpu.vector_load %arg7[%get3A_274, %get3A_275] {strides = array<i32>} : memref<64x128xf32, #tpu.memory_space<vmem>>, vector<1x16xf32>,
        %get3A_277 = vector.shape_cast %get3A_276 : vector<1x16xf32> to vector<16xf32>
        %add3A_278 = arith.addf %scan3A_259, %get3A_277 : vector<16xf32>
        %get3A_279 = arith.index_cast %scan3A_256 : i32 to index
        %get3A_280 = arith.constant 48 : index
        %get3A_281 = tpu.vector_load %arg7[%get3A_279, %get3A_280] {strides = array<i32>} : memref<64x128xf32, #tpu.memory_space<vmem>>, vector<1x16xf32>,
        %get3A_282 = vector.shape_cast %get3A_281 : vector<1x16xf32> to vector<16xf32>
        %add3A_283 = arith.addf %scan3A_260, %get3A_282 : vector<16xf32>
        %get3A_284 = arith.index_cast %scan3A_256 : i32 to index
        %get3A_285 = arith.constant 64 : index
        %get3A_286 = tpu.vector_load %arg7[%get3A_284, %get3A_285] {strides = array<i32>} : memref<64x128xf32, #tpu.memory_space<vmem>>, vector<1x16xf32>,
        %get3A_287 = vector.shape_cast %get3A_286 : vector<1x16xf32> to vector<16xf32>
        %add3A_288 = arith.addf %scan3A_261, %get3A_287 : vector<16xf32>
        %get3A_289 = arith.index_cast %scan3A_256 : i32 to index
        %get3A_290 = arith.constant 80 : index
        %get3A_291 = tpu.vector_load %arg7[%get3A_289, %get3A_290] {strides = array<i32>} : memref<64x128xf32, #tpu.memory_space<vmem>>, vector<1x16xf32>,
        %get3A_292 = vector.shape_cast %get3A_291 : vector<1x16xf32> to vector<16xf32>
        %add3A_293 = arith.addf %scan3A_262, %get3A_292 : vector<16xf32>
        %get3A_294 = arith.index_cast %scan3A_256 : i32 to index
        %get3A_295 = arith.constant 96 : index
        %get3A_296 = tpu.vector_load %arg7[%get3A_294, %get3A_295] {strides = array<i32>} : memref<64x128xf32, #tpu.memory_space<vmem>>, vector<1x16xf32>,
        %get3A_297 = vector.shape_cast %get3A_296 : vector<1x16xf32> to vector<16xf32>
        %add3A_298 = arith.addf %scan3A_263, %get3A_297 : vector<16xf32>
        %get3A_299 = arith.index_cast %scan3A_256 : i32 to index
        %get3A_300 = arith.constant 112 : index
        %get3A_301 = tpu.vector_load %arg7[%get3A_299, %get3A_300] {strides = array<i32>} : memref<64x128xf32, #tpu.memory_space<vmem>>, vector<1x16xf32>,
        %get3A_302 = vector.shape_cast %get3A_301 : vector<1x16xf32> to vector<16xf32>
        %add3A_303 = arith.addf %scan3A_264, %get3A_302 : vector<16xf32>
        %swap3A_304 = arith.index_cast %scan3A_256 : i32 to index
        %swap3A_305 = arith.constant 0 : index
        %swap3A_306 = tpu.vector_load %arg7[%swap3A_304, %swap3A_305] {strides = array<i32>} : memref<64x128xf32, #tpu.memory_space<vmem>>, vector<1x16xf32>,
        %swap3A_307 = vector.shape_cast %swap3A_306 : vector<1x16xf32> to vector<16xf32>
        %swap3A_308 = vector.shape_cast %broadcast_in_dim3A_3 : vector<16xf32> to vector<1x16xf32>
        tpu.vector_store %arg7[%swap3A_304, %swap3A_305], %swap3A_308 {strides = array<i32>} : memref<64x128xf32, #tpu.memory_space<vmem>>, vector<1x16xf32>,
        %swap3A_309 = arith.index_cast %scan3A_256 : i32 to index
        %swap3A_310 = arith.constant 16 : index
        %swap3A_311 = tpu.vector_load %arg7[%swap3A_309, %swap3A_310] {strides = array<i32>} : memref<64x128xf32, #tpu.memory_space<vmem>>, vector<1x16xf32>,
        %swap3A_312 = vector.shape_cast %swap3A_311 : vector<1x16xf32> to vector<16xf32>
        %swap3A_313 = vector.shape_cast %broadcast_in_dim3A_3 : vector<16xf32> to vector<1x16xf32>
        tpu.vector_store %arg7[%swap3A_309, %swap3A_310], %swap3A_313 {strides = array<i32>} : memref<64x128xf32, #tpu.memory_space<vmem>>, vector<1x16xf32>,
        %swap3A_314 = arith.index_cast %scan3A_256 : i32 to index
        %swap3A_315 = arith.constant 32 : index
        %swap3A_316 = tpu.vector_load %arg7[%swap3A_314, %swap3A_315] {strides = array<i32>} : memref<64x128xf32, #tpu.memory_space<vmem>>, vector<1x16xf32>,
        %swap3A_317 = vector.shape_cast %swap3A_316 : vector<1x16xf32> to vector<16xf32>
        %swap3A_318 = vector.shape_cast %broadcast_in_dim3A_3 : vector<16xf32> to vector<1x16xf32>
        tpu.vector_store %arg7[%swap3A_314, %swap3A_315], %swap3A_318 {strides = array<i32>} : memref<64x128xf32, #tpu.memory_space<vmem>>, vector<1x16xf32>,
        %swap3A_319 = arith.index_cast %scan3A_256 : i32 to index
        %swap3A_320 = arith.constant 48 : index
        %swap3A_321 = tpu.vector_load %arg7[%swap3A_319, %swap3A_320] {strides = array<i32>} : memref<64x128xf32, #tpu.memory_space<vmem>>, vector<1x16xf32>,
        %swap3A_322 = vector.shape_cast %swap3A_321 : vector<1x16xf32> to vector<16xf32>
        %swap3A_323 = vector.shape_cast %broadcast_in_dim3A_3 : vector<16xf32> to vector<1x16xf32>
        tpu.vector_store %arg7[%swap3A_319, %swap3A_320], %swap3A_323 {strides = array<i32>} : memref<64x128xf32, #tpu.memory_space<vmem>>, vector<1x16xf32>,
        %swap3A_324 = arith.index_cast %scan3A_256 : i32 to index
        %swap3A_325 = arith.constant 64 : index
        %swap3A_326 = tpu.vector_load %arg7[%swap3A_324, %swap3A_325] {strides = array<i32>} : memref<64x128xf32, #tpu.memory_space<vmem>>, vector<1x16xf32>,
        %swap3A_327 = vector.shape_cast %swap3A_326 : vector<1x16xf32> to vector<16xf32>
        %swap3A_328 = vector.shape_cast %broadcast_in_dim3A_3 : vector<16xf32> to vector<1x16xf32>
        tpu.vector_store %arg7[%swap3A_324, %swap3A_325], %swap3A_328 {strides = array<i32>} : memref<64x128xf32, #tpu.memory_space<vmem>>, vector<1x16xf32>,
        %swap3A_329 = arith.index_cast %scan3A_256 : i32 to index
        %swap3A_330 = arith.constant 80 : index
        %swap3A_331 = tpu.vector_load %arg7[%swap3A_329, %swap3A_330] {strides = array<i32>} : memref<64x128xf32, #tpu.memory_space<vmem>>, vector<1x16xf32>,
        %swap3A_332 = vector.shape_cast %swap3A_331 : vector<1x16xf32> to vector<16xf32>
        %swap3A_333 = vector.shape_cast %broadcast_in_dim3A_3 : vector<16xf32> to vector<1x16xf32>
        tpu.vector_store %arg7[%swap3A_329, %swap3A_330], %swap3A_333 {strides = array<i32>} : memref<64x128xf32, #tpu.memory_space<vmem>>, vector<1x16xf32>,
        %swap3A_334 = arith.index_cast %scan3A_256 : i32 to index
        %swap3A_335 = arith.constant 96 : index
        %swap3A_336 = tpu.vector_load %arg7[%swap3A_334, %swap3A_335] {strides = array<i32>} : memref<64x128xf32, #tpu.memory_space<vmem>>, vector<1x16xf32>,
        %swap3A_337 = vector.shape_cast %swap3A_336 : vector<1x16xf32> to vector<16xf32>
        %swap3A_338 = vector.shape_cast %broadcast_in_dim3A_3 : vector<16xf32> to vector<1x16xf32>
        tpu.vector_store %arg7[%swap3A_334, %swap3A_335], %swap3A_338 {strides = array<i32>} : memref<64x128xf32, #tpu.memory_space<vmem>>, vector<1x16xf32>,
        %swap3A_339 = arith.index_cast %scan3A_256 : i32 to index
        %swap3A_340 = arith.constant 112 : index
        %swap3A_341 = tpu.vector_load %arg7[%swap3A_339, %swap3A_340] {strides = array<i32>} : memref<64x128xf32, #tpu.memory_space<vmem>>, vector<1x16xf32>,
        %swap3A_342 = vector.shape_cast %swap3A_341 : vector<1x16xf32> to vector<16xf32>
        %swap3A_343 = vector.shape_cast %broadcast_in_dim3A_3 : vector<16xf32> to vector<1x16xf32>
        tpu.vector_store %arg7[%swap3A_339, %swap3A_340], %swap3A_343 {strides = array<i32>} : memref<64x128xf32, #tpu.memory_space<vmem>>, vector<1x16xf32>,
        scf.yield %add3A_268, %add3A_273, %add3A_278, %add3A_283, %add3A_288, %add3A_293, %add3A_298, %add3A_303 : vector<16xf32>, vector<16xf32>, vector<16xf32>, vector<16xf32>, vector<16xf32>, vector<16xf32>, vector<16xf32>, vector<16xf32>
      }
      %scan3A_214 = arith.constant 64 : i32
      %swap3A_215 = arith.index_cast %add3A_56 : i32 to index
      %swap3A_216 = arith.constant 0 : index
      %swap3A_217 = tpu.vector_load %arg8[%swap3A_215, %swap3A_216] {strides = array<i32>} : memref<32x128xf32, #tpu.memory_space<vmem>>, vector<1x16xf32>,
      %swap3A_218 = vector.shape_cast %swap3A_217 : vector<1x16xf32> to vector<16xf32>
      %swap3A_219 = vector.shape_cast %scan3A_213#0 : vector<16xf32> to vector<1x16xf32>
      tpu.vector_store %arg8[%swap3A_215, %swap3A_216], %swap3A_219 {strides = array<i32>} : memref<32x128xf32, #tpu.memory_space<vmem>>, vector<1x16xf32>,
      %swap3A_220 = arith.index_cast %add3A_56 : i32 to index
      %swap3A_221 = arith.constant 16 : index
      %swap3A_222 = tpu.vector_load %arg8[%swap3A_220, %swap3A_221] {strides = array<i32>} : memref<32x128xf32, #tpu.memory_space<vmem>>, vector<1x16xf32>,
      %swap3A_223 = vector.shape_cast %swap3A_222 : vector<1x16xf32> to vector<16xf32>
      %swap3A_224 = vector.shape_cast %scan3A_213#1 : vector<16xf32> to vector<1x16xf32>
      tpu.vector_store %arg8[%swap3A_220, %swap3A_221], %swap3A_224 {strides = array<i32>} : memref<32x128xf32, #tpu.memory_space<vmem>>, vector<1x16xf32>,
      %swap3A_225 = arith.index_cast %add3A_56 : i32 to index
      %swap3A_226 = arith.constant 32 : index
      %swap3A_227 = tpu.vector_load %arg8[%swap3A_225, %swap3A_226] {strides = array<i32>} : memref<32x128xf32, #tpu.memory_space<vmem>>, vector<1x16xf32>,
      %swap3A_228 = vector.shape_cast %swap3A_227 : vector<1x16xf32> to vector<16xf32>
      %swap3A_229 = vector.shape_cast %scan3A_213#2 : vector<16xf32> to vector<1x16xf32>
      tpu.vector_store %arg8[%swap3A_225, %swap3A_226], %swap3A_229 {strides = array<i32>} : memref<32x128xf32, #tpu.memory_space<vmem>>, vector<1x16xf32>,
      %swap3A_230 = arith.index_cast %add3A_56 : i32 to index
      %swap3A_231 = arith.constant 48 : index
      %swap3A_232 = tpu.vector_load %arg8[%swap3A_230, %swap3A_231] {strides = array<i32>} : memref<32x128xf32, #tpu.memory_space<vmem>>, vector<1x16xf32>,
      %swap3A_233 = vector.shape_cast %swap3A_232 : vector<1x16xf32> to vector<16xf32>
      %swap3A_234 = vector.shape_cast %scan3A_213#3 : vector<16xf32> to vector<1x16xf32>
      tpu.vector_store %arg8[%swap3A_230, %swap3A_231], %swap3A_234 {strides = array<i32>} : memref<32x128xf32, #tpu.memory_space<vmem>>, vector<1x16xf32>,
      %swap3A_235 = arith.index_cast %add3A_56 : i32 to index
      %swap3A_236 = arith.constant 64 : index
      %swap3A_237 = tpu.vector_load %arg8[%swap3A_235, %swap3A_236] {strides = array<i32>} : memref<32x128xf32, #tpu.memory_space<vmem>>, vector<1x16xf32>,
      %swap3A_238 = vector.shape_cast %swap3A_237 : vector<1x16xf32> to vector<16xf32>
      %swap3A_239 = vector.shape_cast %scan3A_213#4 : vector<16xf32> to vector<1x16xf32>
      tpu.vector_store %arg8[%swap3A_235, %swap3A_236], %swap3A_239 {strides = array<i32>} : memref<32x128xf32, #tpu.memory_space<vmem>>, vector<1x16xf32>,
      %swap3A_240 = arith.index_cast %add3A_56 : i32 to index
      %swap3A_241 = arith.constant 80 : index
      %swap3A_242 = tpu.vector_load %arg8[%swap3A_240, %swap3A_241] {strides = array<i32>} : memref<32x128xf32, #tpu.memory_space<vmem>>, vector<1x16xf32>,
      %swap3A_243 = vector.shape_cast %swap3A_242 : vector<1x16xf32> to vector<16xf32>
      %swap3A_244 = vector.shape_cast %scan3A_213#5 : vector<16xf32> to vector<1x16xf32>
      tpu.vector_store %arg8[%swap3A_240, %swap3A_241], %swap3A_244 {strides = array<i32>} : memref<32x128xf32, #tpu.memory_space<vmem>>, vector<1x16xf32>,
      %swap3A_245 = arith.index_cast %add3A_56 : i32 to index
      %swap3A_246 = arith.constant 96 : index
      %swap3A_247 = tpu.vector_load %arg8[%swap3A_245, %swap3A_246] {strides = array<i32>} : memref<32x128xf32, #tpu.memory_space<vmem>>, vector<1x16xf32>,
      %swap3A_248 = vector.shape_cast %swap3A_247 : vector<1x16xf32> to vector<16xf32>
      %swap3A_249 = vector.shape_cast %scan3A_213#6 : vector<16xf32> to vector<1x16xf32>
      tpu.vector_store %arg8[%swap3A_245, %swap3A_246], %swap3A_249 {strides = array<i32>} : memref<32x128xf32, #tpu.memory_space<vmem>>, vector<1x16xf32>,
      %swap3A_250 = arith.index_cast %add3A_56 : i32 to index
      %swap3A_251 = arith.constant 112 : index
      %swap3A_252 = tpu.vector_load %arg8[%swap3A_250, %swap3A_251] {strides = array<i32>} : memref<32x128xf32, #tpu.memory_space<vmem>>, vector<1x16xf32>,
      %swap3A_253 = vector.shape_cast %swap3A_252 : vector<1x16xf32> to vector<16xf32>
      %swap3A_254 = vector.shape_cast %scan3A_213#7 : vector<16xf32> to vector<1x16xf32>
      tpu.vector_store %arg8[%swap3A_250, %swap3A_251], %swap3A_254 {strides = array<i32>} : memref<32x128xf32, #tpu.memory_space<vmem>>, vector<1x16xf32>,
      %scan3A_255 = arith.constant 0 : i32
      scf.yield %scan3A_255 : i32
    }
    %scan3A_50 = arith.constant 16 : i32
    "tpu.region"() ({
      %run_scoped3A = tpu.sem_alloc : memref<!tpu.dma_semaphore, #tpu.memory_space<semaphore_mem>>
      %dma_start3A_51 = arith.constant 0 : i32
      %dma_start3A_52 = tpu.memref_slice %arg4[%mul3A_2, %dma_start3A_51] : memref<1024x128xf32, #tpu.memory_space<hbm>> -> memref<32x128xf32, #tpu.memory_space<hbm>>
      %dma_start3A_53 = arith.constant 0 : i32
      %dma_start3A_54 = tpu.memref_slice %arg4[%mul3A_2, %dma_start3A_53] : memref<1024x128xf32, #tpu.memory_space<hbm>> -> memref<32x128xf32, #tpu.memory_space<hbm>>
      tpu.enqueue_dma source(%arg8 : memref<32x128xf32, #tpu.memory_space<vmem>>) target(%dma_start3A_54 : memref<32x128xf32, #tpu.memory_space<hbm>>) target_semaphore(%run_scoped3A : memref<!tpu.dma_semaphore, #tpu.memory_space<semaphore_mem>>)
      %dma_wait3A = arith.constant 0 : i32
      %dma_wait3A_55 = tpu.memref_slice %arg4[%mul3A_2, %dma_wait3A] : memref<1024x128xf32, #tpu.memory_space<hbm>> -> memref<32x128xf32, #tpu.memory_space<hbm>>
      %dma_wait3A_56 = arith.constant 0 : i32
      %dma_wait3A_57 = tpu.memref_slice %arg4[%mul3A_2, %dma_wait3A_56] : memref<1024x128xf32, #tpu.memory_space<hbm>> -> memref<32x128xf32, #tpu.memory_space<hbm>>
      tpu.wait_dma2 semaphore(%run_scoped3A : memref<!tpu.dma_semaphore, #tpu.memory_space<semaphore_mem>>) src(%arg8 : memref<32x128xf32, #tpu.memory_space<vmem>>) dst(%dma_wait3A_57 : memref<32x128xf32, #tpu.memory_space<hbm>>)
      tpu.yield
    }) : () -> ()
    return
  }
}

module attributes {stable_mosaic.version = 14 : i64} {
  func.func @_linear_body(%arg0: memref<1024x128xf32, #tpu.memory_space<vmem>>, %arg1: memref<256x128xf32, #tpu.memory_space<vmem>>, %arg2: memref<1x256xf32, #tpu.memory_space<vmem>>, %arg3: memref<1024x256xf32, #tpu.memory_space<vmem>>) attributes {dimension_semantics = [], scalar_prefetch = 0 : i64, scratch_operands = 0 : i64, tpu.core_type = #tpu.core_type<tc>} {
    %get3A = arith.constant 0 : index
    %get3A_0 = arith.constant 0 : index
    %get3A_1 = vector.load %arg0[%get3A, %get3A_0] : memref<1024x128xf32, #tpu.memory_space<vmem>>, vector<1024x128xf32>
    %mul3A = arith.constant 3.906250e-03 : f32
    %mul3A_2 = vector.broadcast %mul3A : f32 to vector<1024x128xf32>
    %mul3A_3 = arith.mulf %get3A_1, %mul3A_2 : vector<1024x128xf32>
    %get3A_4 = arith.constant 0 : index
    %get3A_5 = arith.constant 0 : index
    %get3A_6 = vector.load %arg1[%get3A_4, %get3A_5] : memref<256x128xf32, #tpu.memory_space<vmem>>, vector<256x128xf32>
    %dot_general3A = arith.constant dense<0.000000e+00> : vector<1024x256xf32>
    %dot_general3A_7 = tpu.matmul %mul3A_3, %get3A_6, %dot_general3A {dimension_numbers = #tpu.dot_dimension_numbers<[1], [1], [0], [0], [0, 0, 1, 0], [], []>, transpose_lhs_hint = false} : vector<1024x128xf32>, vector<256x128xf32>, vector<1024x256xf32> -> vector<1024x256xf32>
    %get3A_8 = arith.constant 0 : index
    %get3A_9 = arith.constant 0 : index
    %get3A_10 = vector.load %arg2[%get3A_8, %get3A_9] : memref<1x256xf32, #tpu.memory_space<vmem>>, vector<1x256xf32>
    %add3A = vector.broadcast %get3A_10 : vector<1x256xf32> to vector<1024x256xf32>
    %add3A_11 = arith.addf %dot_general3A_7, %add3A : vector<1024x256xf32>
    %swap3A = arith.constant 0 : index
    %swap3A_12 = arith.constant 0 : index
    %swap3A_13 = vector.load %arg3[%swap3A, %swap3A_12] : memref<1024x256xf32, #tpu.memory_space<vmem>>, vector<1024x256xf32>
    tpu.vector_store %arg3[%swap3A, %swap3A_12], %add3A_11 {strides = array<i32>} : memref<1024x256xf32, #tpu.memory_space<vmem>>, vector<1024x256xf32>,
    return
  }
}

</mosaic_0001>

<sc_bundles>
// kernel: kernel.4.cloned.1.call-start
scs
__scs_entry_jumppad:
0x0: {  	(pc) =	sbr.rel $0x88, $3  }
0x1: {  	(tag) =	ssettag $0x0;
	lr =	simm.s32 $0x1  }
0x2: {  	[smem:$0x3F9D] =	sst lr;
	_ =	strace $0xD0000000  }
0x3: {  	_ = 	snop  }
0x4: {  	_ = 	snop  }
0x5: {  	_ = 	snop  }
0x6: {  	_ = 	snop  }
0x7: {  	_ = 	snop  }
__scs_overlays_trampoline_lowered:
0x8: {  	[smem:$0x3FAC] =	sst s0  }
0x9: {  	[smem:$0x3FAD] =	sst s1  }
0xa: {  	[smem:$0x3FAE] =	sst s2  }
0xb: {  	[smem:$0x3FAF] =	sst s3  }
0xc: {  	[smem:$0x3FB0] =	sst s4  }
0xd: {  	[smem:$0x3FB1] =	sst s5  }
0xe: {  	[smem:$0x3FB2] =	sst s6  }
0xf: {  	[smem:$0x3FB3] =	sst s7  }
0x10: {  	[smem:$0x3FB4] =	sst s8  }
0x11: {  	[smem:$0x3FB5] =	sst s9;
	s0 =	simm.s32 @!p0 $0x0  }
0x12: {  	s1 =	sld [smem:$0x3F9B];
	s0 =	simm.s32 @p0 $0x1  }
0x13: {  	[smem:$0x3FB6] =	sst s0;
	s0 =	simm.s32 @!p1 $0x0  }
0x14: {  	s2 =	sld [smem:$0x3F9A];
	s0 =	simm.s32 @p1 $0x1  }
0x15: {  	[smem:$0x3FB7] =	sst s0;
	s0 =	simm.s32 @!p2 $0x0  }
0x16: {  	s3 =	sld [smem:$0x3FDB];
	s0 =	simm.s32 @p2 $0x1  }
0x17: {  	s4 =	simm.s32 $0x1BF5;
	[smem:$0x3FB9] =	sst s0  }
0x18: {  	s0 =	sld [smem:$0x3F9C];
	_ =	swait.ge [sflag:s4], $0x0  }
0x19: {  	s7 =	sld [smem:$0x3F9D]  }
0x1a: {  	s8 =	sadd.s32 $0xFFFFE003, lr  }
0x1b: {  	s9 =	sadd.s32 $0xFFFFFEF7, lr;
	s5 =	simm.s32 $0xFFFFFFFF;
	p2 =	slt.u32 s8, $0xFFFFF086  }
0x1c: {  	p1 =	slt.u32 s9, $0xF7A;
	s5 =	simm.s32 @!p2 $0x0  }
0x1d: {  	s5 =	simm.s32 @p1 $0x1;
	p0 =	seq.s32 s7, s2  }
0x1e: {  	s7 =	smul.u32 @!p0 $0xF7A, s2;
	p2 =	seq.s32 @!p0 s5, $0x0  }
0x1f: {  	s9 =	smul.u32 $0xF7A, s1;
	s8 =	simm.s32 @!p0 $0x1BF5;
	p2 =	por !p2, p0  }
0x20: {  	[sflag:s8] =	ssyncset.s32 @!p0 $0xFFFFF086;
	s6 =	sadd.s32 @!p0 s3, s7;
	s7 =	simm.s32 @!p0 $0x108  }
0x21: {  	s3 =	sadd.s32 s3, s9;
	s6 =	sadd.s32 @!p0 $0x88, s6;
	s7 =	simm.s32 @p2 $0x1082  }
0x22: {  	[simem:s7], [sflag:s8] =	dma.local @!p0 [hbm:s6], $0xF7A  }
0x23: {  	s9 =	sor.u32 $0xD0000000, s2;
	s6 =	simm.s32 $0x108;
	_ =	swait.ge @!p0 [sflag:s8], $0x0  }
0x24: {  	s3 =	sadd.s32 $0x88, s3;
	s6 =	simm.s32 @!p1 $0x1082;
	[sflag:s4] =	ssyncset.s32 $0xFFFFF086  }
0x25: {  	[simem:s6], [sflag:s4] =	dma.local [hbm:s3], $0xF7A  }
0x26: {  	[smem:$0x3F9D] =	sst s1;
	(tag) =	ssettag s2;
	_ =	strace s9  }
0x27: {  	s1 =	sld [smem:$0x3FAD]  }
0x28: {  	s2 =	sld [smem:$0x3FAE]  }
0x29: {  	s4 =	sld [smem:$0x3FB0]  }
0x2a: {  	p0 =	seq.s32 s5, $0x0;
	s5 =	sld [smem:$0x3FB1]  }
0x2b: {  	s6 =	sld [smem:$0x3FB2]  }
0x2c: {  	s7 =	sld [smem:$0x3FB3]  }
0x2d: {  	s3 =	simm.s32 $0x108;
	s8 =	sld [smem:$0x3FB4]  }
0x2e: {  	s3 =	simm.s32 @!p0 $0x1082;
	s9 =	sld [smem:$0x3FB5]  }
0x2f: {  	lr =	sadd.s32 s0, s3;
	s0 =	sld [smem:$0x3FAC]  }
0x30: {  	s3 =	sld [smem:$0x3FAF]  }
0x31: {  	[smem:$0x3FB8] =	sst s10  }
0x32: {  	s10 =	sld [smem:$0x3FB6];
	_ =	sdelay $0x3  }
0x33: {  	p0 =	seq.s32 s10, $0x1;
	s10 =	sld [smem:$0x3FB8];
	_ =	sdelay $0x3  }
0x34: {  	[smem:$0x3FB8] =	sst s10  }
0x35: {  	s10 =	sld [smem:$0x3FB7];
	_ =	sdelay $0x3  }
0x36: {  	p1 =	seq.s32 s10, $0x1;
	s10 =	sld [smem:$0x3FB8];
	_ =	sdelay $0x3  }
0x37: {  	[smem:$0x3FB8] =	sst s10  }
0x38: {  	s10 =	sld [smem:$0x3FB9]  }
0x39: {  	_ = 	snop;
	(pc) =	sbr.ind lr, $3  }
0x3a: {  	_ = 	snop  }
0x3b: {  	_ = 	snop  }
0x3c: {  	p2 =	seq.s32 s10, $0x1;
	s10 =	sld [smem:$0x3FB8]  }
0x3d: {  	_ =	shalt  }
0x3e: {  	_ =	shalt  }
0x3f: {  	_ =	shalt  }
0x40: {  	_ =	shalt  }
0x41: {  	_ =	shalt  }
0x42: {  	_ =	shalt  }
0x43: {  	_ =	shalt  }
0x44: {  	_ =	shalt  }
0x45: {  	_ =	shalt  }
0x46: {  	_ =	shalt  }
0x47: {  	_ =	shalt  }
0x48: {  	_ =	shalt  }
0x49: {  	_ =	shalt  }
0x4a: {  	_ =	shalt  }
0x4b: {  	_ =	shalt  }
0x4c: {  	_ =	shalt  }
0x4d: {  	_ =	shalt  }
0x4e: {  	_ =	shalt  }
0x4f: {  	_ =	shalt  }
0x50: {  	_ =	shalt  }
0x51: {  	_ =	shalt  }
0x52: {  	_ =	shalt  }
0x53: {  	_ =	shalt  }
0x54: {  	_ =	shalt  }
0x55: {  	_ =	shalt  }
0x56: {  	_ =	shalt  }
0x57: {  	_ =	shalt  }
0x58: {  	_ =	shalt  }
0x59: {  	_ =	shalt  }
0x5a: {  	_ =	shalt  }
0x5b: {  	_ =	shalt  }
0x5c: {  	_ =	shalt  }
0x5d: {  	_ =	shalt  }
0x5e: {  	_ =	shalt  }
0x5f: {  	_ =	shalt  }
0x60: {  	_ =	shalt  }
0x61: {  	_ =	shalt  }
0x62: {  	_ =	shalt  }
0x63: {  	_ =	shalt  }
0x64: {  	_ =	shalt  }
0x65: {  	_ =	shalt  }
0x66: {  	_ =	shalt  }
0x67: {  	_ =	shalt  }
0x68: {  	_ =	shalt  }
0x69: {  	_ =	shalt  }
0x6a: {  	_ =	shalt  }
0x6b: {  	_ =	shalt  }
0x6c: {  	_ =	shalt  }
0x6d: {  	_ =	shalt  }
0x6e: {  	_ =	shalt  }
0x6f: {  	_ =	shalt  }
0x70: {  	_ =	shalt  }
0x71: {  	_ =	shalt  }
0x72: {  	_ =	shalt  }
0x73: {  	_ =	shalt  }
0x74: {  	_ =	shalt  }
0x75: {  	_ =	shalt  }
0x76: {  	_ =	shalt  }
0x77: {  	_ =	shalt  }
0x78: {  	_ =	shalt  }
0x79: {  	_ =	shalt  }
0x7a: {  	_ =	shalt  }
0x7b: {  	_ =	shalt  }
0x7c: {  	_ =	shalt  }
0x7d: {  	_ =	shalt  }
0x7e: {  	_ =	shalt  }
0x7f: {  	_ =	shalt  }
0x80: {  	_ =	shalt  }
0x81: {  	_ =	shalt  }
0x82: {  	_ =	shalt  }
0x83: {  	_ =	shalt  }
0x84: {  	_ =	shalt  }
0x85: {  	_ =	shalt  }
0x86: {  	_ =	shalt  }
0x87: {  	_ =	shalt  }
.Lfunc_end0:
.L_simem_size_0:
called_computation_lowered:
.L_overlay_start_0:
0x88: {  	s2 =	sld [smem:$0x3FD9]  }
0x89: {  	s3 =	sld [smem:$0x3FFE];
	_ =	sdelay $0x1  }
0x8a: {  	s1 =	srdreg.scid  }
0x8b: {  	s0 =	sand.u32 $0x1, s1  }
0x8c: {  	s18 =	sshll.u32 s0, $0xA;
	s2 =	sadd.s32 s3, s2  }
0x8d: {  	s2 =	sadd.s32 s2, s18  }
0x8e: {  	[smem:$0x3FC4] =	sst s2  }
0x8f: {  	_ = 	snop  }
0x90: {  	s2 =	sld [smem:$0x3FC9]  }
0x91: {  	s19 =	sld [smem:$0x3FC8]  }
0x92: {  	s4 =	sld [smem:$0x3FD0];
	(tm) =	ssettm $0x1  }
0x93: {  	s5 =	sld [smem:$0x3FFB];
	_ =	sdelay $0x3  }
0x94: {  	_ =	strace s5  }
0x95: {  	s5 =	sld [smem:$0x3FFC];
	_ =	sdelay $0x3  }
0x96: {  	_ =	strace s5  }
0x97: {  	s5 =	sld [smem:$0x3FFD];
	_ =	sdelay $0x3  }
0x98: {  	_ =	strace s5  }
0x99: {  	_ =	strace $0x8FFFFFFF  }
0x9a: {  	s20 =	sld [smem:$0x3FDB];
	_ =	sdelay $0x1  }
0x9b: {  	s6 =	simm.s32 $_scs_section_size  }
0x9c: {  	s7 =	simm.s32 $_size__tile_overlayer_lowered;
	s8 =	simm.s32 $_tile_overlayer_lowered  }
0x9d: {  	s23 =	simm.s32 $0x1BFF;
	s22 =	sshll.u32 s8, $0x1;
	s5 =	sadd.s32 s6, s20  }
0x9e: {  	s9 =	simm.s32 $0x0;
	s21 =	sshll.u32 s7, $0x1;
	s7 =	sadd.s32 s22, s5  }
0x9f: {  	[timem:s9], [sflag:s23] =	dma.local [hbm:s7], s21  }
0xa0: {  	_ =	swait.ge [sflag:s23], s21  }
0xa1: {  	s6 =	ssub.s32 $0x0, s21;
	[sflag:s23] =	ssyncset.done $0x0  }
0xa2: {  	[sflag:s23] =	ssyncadd.s32 s6;
	_ =	sdelay $0x1  }
0xa3: {  	s24 =	simm.s32 $0x1B8B  }
0xa4: {  	_ =	swait.ge [sflag:s24], $0x1  }
0xa5: {  	[sflag:s24] =	ssyncset.done $0x0  }
0xa6: {  	s25 =	simm.s32 $0x1B8E;
	[sflag:s24] =	ssyncadd.s32 $0xFFFFFFFF  }
0xa7: {  	s26 =	simm.s32 $execute0_lowered;
	[smem:$0x3FD2] =	sst s25  }
0xa8: {  	s6 =	sshll.u32 s26, $0x1;
	_ =	strace $0x80000046;
	[dreg:$0x1] =	wrdreg $0xFFFFFFFF  }
0xa9: {  	s28 =	simm.s32 $_size_execute0_lowered;
	s5 =	sadd.s32 s5, s6;
	[dreg:$0x0] =	wrdreg $0x0  }
0xaa: {  	s6 =	sshll.u32 s28, $0x1;
	[dreg:$0x2] =	wrdreg s5  }
0xab: {  	[dreg:$0x3] =	wrdreg s6  }
0xac: {  	[dreg:$0x4] =	wrdreg $0xC0  }
0xad: {  	_ =	task [dreg:s9], $0x5FFFF  }
0xae: {  	[dreg:$0x1] =	wrdreg $0xFFFFFFFF  }
0xaf: {  	[dreg:$0x0] =	wrdreg $0x60  }
0xb0: {  	[dreg:$0x2] =	wrdreg s2  }
0xb1: {  	[dreg:$0x3] =	wrdreg s19  }
0xb2: {  	[dreg:$0x4] =	wrdreg s4  }
0xb3: {  	[dreg:$0x5] =	wrdreg $0x9  }
0xb4: {  	_ =	task.clear_ibuf [dreg:s9], $0x6FFFF;
	_ =	strace $0x90000046  }
0xb5: {  	s29 =	simm.s32 $0x9;
	_ =	strace $0x80000048  }
0xb6: {  	_ =	swait.ge [sflag:s29], $0x1  }
0xb7: {  	[sflag:s29] =	ssyncadd.s32 $0xFFFFFFFF  }
0xb8: {  	_ =	strace $0x90000048  }
0xb9: {  	_ =	sfence  }
0xba: {  	s30 =	sld [smem:$0x0];
	_ =	sdelay $0x2  }
0xbb: {  	s31 =	sshll.u32 s1, $0xD;
	s1 =	sshrl.u32 s1, $0x2  }
0xbc: {  	s3 =	sand.u32 $0x4000, s31;
	s1 =	sadd.s32 s1, s30  }
0xbd: {  	s0 =	sor.u32 s3, s0;
	s1 =	sshll.u32 s1, $0x11  }
0xbe: {  	s0 =	sor.u32 s1, s0  }
0xbf: {  	s0 =	sadd.s32 $0x8F2B, s0  }
0xc0: {  	[sflag:s0] =	ssyncadd.remote.s32 $0x1  }
0xc1: {  	_ =	sfence.sel $0xFFFF  }
0xc2: {  	[dreg:$0x0] =	wrdreg $0xFFFFFFFF;
	(pc) =	sbr.abs _section_cstart, $3  }
0xc3: {  	[dreg:$0x1] =	wrdreg $0xFFFFFFFF  }
0xc4: {  	_ =	task.clear_ibuf [dreg:s9], $0x2FFFF;
	_ =	strace $0x9FFFFFFF  }
0xc5: {  	(tm) =	ssettm $0x7FFFFFFF  }
tec
execute0_lowered:
.L_overlay_start_1:
0x0: {  	(tag) =	ssettag $0x1  }
0x1: {  	s4 =	rddreg [dreg:$0x0]  }
0x2: {  	s2 =	rddreg [dreg:$0x1]  }
0x3: {  	s5 =	rddreg [dreg:$0x2];
	s3 =	srdreg.scid  }
0x4: {  	s0 =	rddreg [dreg:$0x3];
	s1 =	stileid.u32;
	s10 =	simm.s32 $0x400  }
0x5: {  	s11 =	simm.s32 $0x440;
	s12 =	simm.s32 $0x4000;
	s13 =	simm.s32 $0x1  }
0x6: {  	s14 =	simm.s32 $0x2;
	s15 =	simm.s32 $0x6000;
	s16 =	simm.s32 $0x0  }
0x7: {  	s6 =	sand.u32 $0x1, s3;
	s3 =	simm.s32 $0x0;
	s7 =	sshll.u32 s1, $0x6  }
0x8: {  	s8 =	sshll.u32 s6, $0x5;
	[smem:$0x7FF] =	sst s3;
	s6 =	ssub.s32 $0x2, s6  }
0x9: {  	s7 =	sor.u32 s8, s7;
	_ =	strace $0x80000047;
	s31 =	sshrl.u32 s6, $0x1  }
0xa: {  	s8 =	simm.s32 $0x40;
	s9 =	sshll.u32 s7, $0x5;
	s7 =	sshll.u32 s7, $0x4  }
0xb: {  	s6 =	ssub.s32 s6, s31;
	s4 =	sadd.s32 s4, s9;
	s5 =	sadd.s32 s5, s7  }
0xc: {  	v0 =	vimm.f32 $0.0e+00;
	s6 =	smax.u32 s6, $0x1;
	s7 =	simm.s32 $0x3;
	s9 =	simm.s32 $0x2000  }
.LBB2_1:
0xd: {  	[tilespmem:s3], [sflag:$0x3] =	stream.linear.gather [hbm4b:s4+s3], $0x2000, $0x38;
	[tilespmem:$0x7000] =	vst v63  }
0xe: {  	_ =	swait.ge [sflag:s7], $0x2000  }
0xf: {  	[sflag:s7] =	ssyncset.done $0x0  }
0x10: {  	s17 =	simm.s32 $0x0;
	s18 =	simm.s32 $0x200;
	[sflag:s7] =	ssyncadd.s32 $0xFFFFE000  }
.LBB2_2:
0x11: {  	p0 =	sne.s32 s18, $0x7E00;
	[tilespmem:s17+$0x2070] =	vst v0  }
0x12: {  	[tilespmem:s17+$0x2000] =	vst v0  }
0x13: {  	[tilespmem:s17+$0x2010] =	vst v0  }
.Ltmp0:
0x14: {  	[tilespmem:s17+$0x2020] =	vst v0;
	(pc) =	sbr.rel @p0 .LBB2_2-.Ltmp0, $4  }
0x15: {  	[tilespmem:s17+$0x2030] =	vst v0  }
0x16: {  	[tilespmem:s17+$0x2040] =	vst v0  }
0x17: {  	[tilespmem:s17+$0x2050] =	vst v0  }
0x18: {  	[tilespmem:s17+$0x2060] =	vst v0;
	s17 =	sshra.s32 s18, $0x2;
	s18 =	sadd.s32 $0x200, s18  }
0x19: {  	[tilespmem:s17+$0x2070] =	vst v0  }
0x1a: {  	[tilespmem:s17+$0x2000] =	vst v0  }
0x1b: {  	[tilespmem:s17+$0x2010] =	vst v0  }
0x1c: {  	[tilespmem:s17+$0x2020] =	vst v0  }
0x1d: {  	[tilespmem:s17+$0x2030] =	vst v0  }
0x1e: {  	[tilespmem:s17+$0x2040] =	vst v0  }
0x1f: {  	[tilespmem:s17+$0x2050] =	vst v0  }
0x20: {  	[tilespmem:s17+$0x2060] =	vst v0;
	s17 =	simm.s32 $0x0  }
0x21: {  	[tilespmem:s9], [sflag:$0x1] =	stream.indirect.gather.add.f32 [hbm:s2], $0x80, s17, s8, $0xb8;
	[tilespmem:$0x7000] =	vst v63  }
0x22: {  	_ = 	snop  }
0x23: {  	[tilespmem:s9], [sflag:$0x1] =	stream.indirect.gather.add.f32 [hbm:s2], $0x80, s8, s8, $0xb8;
	[tilespmem:$0x7000] =	vst v63  }
0x24: {  	_ = 	snop  }
0x25: {  	[tilespmem:s9], [sflag:$0x1] =	stream.indirect.gather.add.f32 [hbm:s2], $0x80, s10, s8, $0xb8;
	[tilespmem:$0x7000] =	vst v63  }
0x26: {  	s18 =	simm.s32 $0x0;
	s19 =	simm.s32 $0x200  }
0x27: {  	[tilespmem:s9], [sflag:$0x1] =	stream.indirect.gather.add.f32 [hbm:s2], $0x80, s11, s8, $0xb8;
	[tilespmem:$0x7000] =	vst v63  }
.LBB2_4:
0x28: {  	p0 =	sne.s32 s19, $0x7E00;
	[tilespmem:s18+$0x4070] =	vst v0  }
0x29: {  	[tilespmem:s18+$0x4000] =	vst v0  }
0x2a: {  	[tilespmem:s18+$0x4010] =	vst v0  }
.Ltmp1:
0x2b: {  	[tilespmem:s18+$0x4020] =	vst v0;
	(pc) =	sbr.rel @p0 .LBB2_4-.Ltmp1, $4  }
0x2c: {  	[tilespmem:s18+$0x4030] =	vst v0  }
0x2d: {  	[tilespmem:s18+$0x4040] =	vst v0  }
0x2e: {  	[tilespmem:s18+$0x4050] =	vst v0  }
0x2f: {  	[tilespmem:s18+$0x4060] =	vst v0;
	s18 =	sshra.s32 s19, $0x2;
	s19 =	sadd.s32 $0x200, s19  }
0x30: {  	[tilespmem:s18+$0x4070] =	vst v0  }
0x31: {  	[tilespmem:s18+$0x4000] =	vst v0  }
0x32: {  	[tilespmem:s18+$0x4010] =	vst v0  }
0x33: {  	[tilespmem:s18+$0x4020] =	vst v0  }
0x34: {  	[tilespmem:s18+$0x4030] =	vst v0  }
0x35: {  	[tilespmem:s18+$0x4040] =	vst v0  }
0x36: {  	[tilespmem:s18+$0x4050] =	vst v0  }
0x37: {  	[tilespmem:s18+$0x4060] =	vst v0  }
.LBB2_6:
0x38: {  	s19 =	sshll.u32 s17, $0x8  }
0x39: {  	s20 =	sshll.u32 s17, $0x9;
	s18 =	sor.u32 $0x80, s19  }
0x3a: {  	s20 =	sand.u32 $0x1800, s20;
	s21 =	sand.u32 $0x380, s18  }
0x3b: {  	s20 =	sor.u32 s21, s20  }
0x3c: {  	[tilespmem:s12], [sflag:$0x2] =	stream.indirect.gather.add.f32 [hbm:s2], $0x80, s20, s8, $0xb8;
	[tilespmem:$0x7000] =	vst v63  }
0x3d: {  	s21 =	sor.u32 $0x40, s20  }
0x3e: {  	[tilespmem:s12], [sflag:$0x2] =	stream.indirect.gather.add.f32 [hbm:s2], $0x80, s21, s8, $0xb8;
	[tilespmem:$0x7000] =	vst v63  }
0x3f: {  	s30 =	sor.u32 $0x400, s20  }
0x40: {  	[tilespmem:s12], [sflag:$0x2] =	stream.indirect.gather.add.f32 [hbm:s2], $0x80, s30, s8, $0xb8;
	[tilespmem:$0x7000] =	vst v63  }
0x41: {  	s20 =	sor.u32 $0x440, s20  }
0x42: {  	[tilespmem:s12], [sflag:$0x2] =	stream.indirect.gather.add.f32 [hbm:s2], $0x80, s20, s8, $0xb8;
	[tilespmem:$0x7000] =	vst v63  }
0x43: {  	_ =	swait.ge [sflag:s13], $0x2000  }
0x44: {  	[sflag:s13] =	ssyncset.done $0x0  }
0x45: {  	[sflag:s13] =	ssyncadd.s32 $0xFFFFE000  }
0x46: {  	_ =	swait.ge [sflag:s13], $0x2000  }
0x47: {  	[sflag:s13] =	ssyncset.done $0x0  }
0x48: {  	[sflag:s13] =	ssyncadd.s32 $0xFFFFE000  }
0x49: {  	_ =	swait.ge [sflag:s13], $0x2000  }
0x4a: {  	[sflag:s13] =	ssyncset.done $0x0  }
0x4b: {  	[sflag:s13] =	ssyncadd.s32 $0xFFFFE000  }
0x4c: {  	_ =	swait.ge [sflag:s13], $0x2000  }
0x4d: {  	[sflag:s13] =	ssyncset.done $0x0  }
0x4e: {  	s31 =	simm.s32 $0x0;
	[sflag:s13] =	ssyncadd.s32 $0xFFFFE000  }
0x4f: {  	v5 =	vld [tilespmem:s31+$0x2000];
	[tilespmem:s31+$0x2000] =	vst v0  }
0x50: {  	v6 =	vld [tilespmem:s31+$0x2010];
	[tilespmem:s31+$0x2010] =	vst v0  }
0x51: {  	v7 =	vld [tilespmem:s31+$0x2020];
	[tilespmem:s31+$0x2020] =	vst v0  }
0x52: {  	v9 =	vld [tilespmem:s31+$0x2030];
	[tilespmem:s31+$0x2030] =	vst v0  }
0x53: {  	v14 =	vld [tilespmem:s31+$0x2040];
	[tilespmem:s31+$0x2040] =	vst v0  }
0x54: {  	v4 =	vld [tilespmem:s31+$0x2050];
	[tilespmem:s31+$0x2050] =	vst v0  }
0x55: {  	v1 =	vimm.f32 $0.0e+00;
	v3 =	vld [tilespmem:s31+$0x2060];
	[tilespmem:s31+$0x2060] =	vst v0  }
0x56: {  	s20 =	simm.s32 $0x80;
	v2 =	vld [tilespmem:s31+$0x2070];
	[tilespmem:s31+$0x2070] =	vst v0;
	v11 =	vadd.f32 v5, v1;
	v10 =	vadd.f32 v6, v1  }
0x57: {  	v12 =	vld [tilespmem:s20+$0x2000];
	[tilespmem:s20+$0x2000] =	vst v0;
	v8 =	vadd.f32 v7, v1;
	v6 =	vadd.f32 v9, v1  }
0x58: {  	s21 =	simm.s32 $0x400;
	v13 =	vld [tilespmem:s20+$0x2010];
	[tilespmem:s20+$0x2010] =	vst v0;
	v7 =	vadd.f32 v14, v1;
	v9 =	vimm.f32 $0.0e+00;
	v5 =	vimm.f32 $0.0e+00  }
.LBB2_7:
0x59: {  	p0 =	sne.s32 s21, $0x7E00;
	v14 =	vld [tilespmem:s20+$0x2020];
	[tilespmem:s20+$0x2020] =	vst v0;
	v1 =	vadd.f32 v4, v1  }
0x5a: {  	v15 =	vld [tilespmem:s20+$0x2030];
	[tilespmem:s20+$0x2030] =	vst v0;
	v9 =	vadd.f32 v3, v9  }
0x5b: {  	v16 =	vld [tilespmem:s20+$0x2040];
	[tilespmem:s20+$0x2040] =	vst v0;
	v5 =	vadd.f32 v2, v5  }
.Ltmp2:
0x5c: {  	v11 =	vadd.f32 v12, v11;
	v4 =	vld [tilespmem:s20+$0x2050];
	[tilespmem:s20+$0x2050] =	vst v0;
	(pc) =	sbr.rel @p0 .LBB2_7-.Ltmp2, $4  }
0x5d: {  	v10 =	vadd.f32 v13, v10;
	v3 =	vld [tilespmem:s20+$0x2060];
	[tilespmem:s20+$0x2060] =	vst v0  }
0x5e: {  	v8 =	vadd.f32 v14, v8;
	v2 =	vld [tilespmem:s20+$0x2070];
	[tilespmem:s20+$0x2070] =	vst v0;
	s20 =	sshra.s32 s21, $0x2  }
0x5f: {  	v12 =	vld [tilespmem:s20+$0x2000];
	[tilespmem:s20+$0x2000] =	vst v0;
	v6 =	vadd.f32 v15, v6  }
0x60: {  	s21 =	sadd.s32 $0x200, s21;
	v13 =	vld [tilespmem:s20+$0x2010];
	[tilespmem:s20+$0x2010] =	vst v0;
	v7 =	vadd.f32 v16, v7  }
0x61: {  	v14 =	vld [tilespmem:s20+$0x2020];
	[tilespmem:s20+$0x2020] =	vst v0  }
0x62: {  	v15 =	vld [tilespmem:s20+$0x2030];
	[tilespmem:s20+$0x2030] =	vst v0  }
0x63: {  	v16 =	vld [tilespmem:s20+$0x2040];
	[tilespmem:s20+$0x2040] =	vst v0  }
0x64: {  	v17 =	vld [tilespmem:s20+$0x2050];
	[tilespmem:s20+$0x2050] =	vst v0  }
0x65: {  	v18 =	vld [tilespmem:s20+$0x2060];
	[tilespmem:s20+$0x2060] =	vst v0;
	v11 =	vadd.f32 v12, v11  }
0x66: {  	s19 =	sand.u32 $0x3FFFFF00, s19;
	v12 =	vld [tilespmem:s20+$0x2070];
	[tilespmem:s20+$0x2070] =	vst v0;
	v10 =	vadd.f32 v13, v10  }
0x67: {  	v8 =	vadd.f32 v14, v8;
	[tilespmem:s19+$0x6000] =	vst v11  }
0x68: {  	v1 =	vadd.f32 v4, v1;
	v4 =	vadd.f32 v15, v6;
	[tilespmem:s19+$0x6010] =	vst v10  }
0x69: {  	p0 =	seq.s32 s17, $0xF;
	v3 =	vadd.f32 v3, v9;
	v6 =	vadd.f32 v16, v7;
	[tilespmem:s19+$0x6020] =	vst v8  }
0x6a: {  	v2 =	vadd.f32 v2, v5;
	s20 =	sshll.u32 @!p0 s17, $0x1;
	v1 =	vadd.f32 v17, v1;
	[tilespmem:s19+$0x6030] =	vst v4  }
0x6b: {  	s20 =	sadd.s32 @!p0 $0x2, s20;
	v3 =	vadd.f32 v18, v3;
	[tilespmem:s19+$0x6040] =	vst v6  }
0x6c: {  	s21 =	sshll.u32 @!p0 s20, $0x8;
	s20 =	sshll.u32 @!p0 s20, $0x7;
	[tilespmem:s19+$0x6050] =	vst v1;
	v2 =	vadd.f32 v12, v2  }
0x6d: {  	s21 =	sand.u32 @!p0 $0x3800, s21;
	s20 =	sand.u32 @!p0 $0x300, s20;
	[tilespmem:s19+$0x6060] =	vst v3  }
0x6e: {  	[tilespmem:s19+$0x6070] =	vst v2;
	s19 =	sor.u32 @!p0 s20, s21;
	s20 =	simm.s32 @!p0 $0x40;
	s21 =	simm.s32 @!p0 $0x2000  }
0x6f: {  	[tilespmem:s21], [sflag:$0x1] =	stream.indirect.gather.add.f32 @!p0 [hbm:s2], $0x80, s19, s20, $0xb8;
	[tilespmem:$0x7000] =	vst v63  }
0x70: {  	s22 =	sor.u32 @!p0 $0x40, s19  }
0x71: {  	[tilespmem:s21], [sflag:$0x1] =	stream.indirect.gather.add.f32 @!p0 [hbm:s2], $0x80, s22, s20, $0xb8;
	[tilespmem:$0x7000] =	vst v63  }
0x72: {  	s22 =	sor.u32 @!p0 $0x400, s19  }
0x73: {  	[tilespmem:s21], [sflag:$0x1] =	stream.indirect.gather.add.f32 @!p0 [hbm:s2], $0x80, s22, s20, $0xb8;
	[tilespmem:$0x7000] =	vst v63  }
0x74: {  	s19 =	sor.u32 @!p0 $0x440, s19  }
0x75: {  	[tilespmem:s21], [sflag:$0x1] =	stream.indirect.gather.add.f32 @!p0 [hbm:s2], $0x80, s19, s20, $0xb8;
	[tilespmem:$0x7000] =	vst v63  }
0x76: {  	_ =	swait.ge [sflag:s14], $0x2000  }
0x77: {  	[sflag:s14] =	ssyncset.done $0x0  }
0x78: {  	[sflag:s14] =	ssyncadd.s32 $0xFFFFE000  }
0x79: {  	_ =	swait.ge [sflag:s14], $0x2000  }
0x7a: {  	[sflag:s14] =	ssyncset.done $0x0  }
0x7b: {  	[sflag:s14] =	ssyncadd.s32 $0xFFFFE000  }
0x7c: {  	_ =	swait.ge [sflag:s14], $0x2000  }
0x7d: {  	[sflag:s14] =	ssyncset.done $0x0  }
0x7e: {  	[sflag:s14] =	ssyncadd.s32 $0xFFFFE000  }
0x7f: {  	_ =	swait.ge [sflag:s14], $0x2000  }
0x80: {  	[sflag:s14] =	ssyncset.done $0x0  }
0x81: {  	s31 =	simm.s32 $0x0;
	[sflag:s14] =	ssyncadd.s32 $0xFFFFE000  }
0x82: {  	v5 =	vld [tilespmem:s31+$0x4000];
	[tilespmem:s31+$0x4000] =	vst v0  }
0x83: {  	v6 =	vld [tilespmem:s31+$0x4010];
	[tilespmem:s31+$0x4010] =	vst v0  }
0x84: {  	v7 =	vld [tilespmem:s31+$0x4020];
	[tilespmem:s31+$0x4020] =	vst v0  }
0x85: {  	v10 =	vld [tilespmem:s31+$0x4030];
	[tilespmem:s31+$0x4030] =	vst v0  }
0x86: {  	v14 =	vld [tilespmem:s31+$0x4040];
	[tilespmem:s31+$0x4040] =	vst v0  }
0x87: {  	v4 =	vld [tilespmem:s31+$0x4050];
	[tilespmem:s31+$0x4050] =	vst v0  }
0x88: {  	v1 =	vimm.f32 $0.0e+00;
	v3 =	vld [tilespmem:s31+$0x4060];
	[tilespmem:s31+$0x4060] =	vst v0  }
0x89: {  	s19 =	simm.s32 $0x80;
	v2 =	vld [tilespmem:s31+$0x4070];
	[tilespmem:s31+$0x4070] =	vst v0;
	v11 =	vadd.f32 v5, v1;
	v8 =	vadd.f32 v6, v1  }
0x8a: {  	v12 =	vld [tilespmem:s19+$0x4000];
	[tilespmem:s19+$0x4000] =	vst v0;
	v9 =	vadd.f32 v7, v1;
	v5 =	vadd.f32 v10, v1  }
0x8b: {  	s20 =	simm.s32 $0x400;
	v13 =	vld [tilespmem:s19+$0x4010];
	[tilespmem:s19+$0x4010] =	vst v0;
	v7 =	vadd.f32 v14, v1;
	v10 =	vimm.f32 $0.0e+00;
	v6 =	vimm.f32 $0.0e+00  }
.LBB2_9:
0x8c: {  	p0 =	sne.s32 s20, $0x7E00;
	v14 =	vld [tilespmem:s19+$0x4020];
	[tilespmem:s19+$0x4020] =	vst v0;
	v1 =	vadd.f32 v4, v1  }
0x8d: {  	v15 =	vld [tilespmem:s19+$0x4030];
	[tilespmem:s19+$0x4030] =	vst v0;
	v10 =	vadd.f32 v3, v10  }
0x8e: {  	v16 =	vld [tilespmem:s19+$0x4040];
	[tilespmem:s19+$0x4040] =	vst v0;
	v6 =	vadd.f32 v2, v6  }
.Ltmp3:
0x8f: {  	v11 =	vadd.f32 v12, v11;
	v4 =	vld [tilespmem:s19+$0x4050];
	[tilespmem:s19+$0x4050] =	vst v0;
	(pc) =	sbr.rel @p0 .LBB2_9-.Ltmp3, $4  }
0x90: {  	v8 =	vadd.f32 v13, v8;
	v3 =	vld [tilespmem:s19+$0x4060];
	[tilespmem:s19+$0x4060] =	vst v0  }
0x91: {  	v9 =	vadd.f32 v14, v9;
	v2 =	vld [tilespmem:s19+$0x4070];
	[tilespmem:s19+$0x4070] =	vst v0;
	s19 =	sshra.s32 s20, $0x2  }
0x92: {  	v12 =	vld [tilespmem:s19+$0x4000];
	[tilespmem:s19+$0x4000] =	vst v0;
	v5 =	vadd.f32 v15, v5  }
0x93: {  	s20 =	sadd.s32 $0x200, s20;
	v13 =	vld [tilespmem:s19+$0x4010];
	[tilespmem:s19+$0x4010] =	vst v0;
	v7 =	vadd.f32 v16, v7  }
0x94: {  	v14 =	vld [tilespmem:s19+$0x4020];
	[tilespmem:s19+$0x4020] =	vst v0  }
0x95: {  	v15 =	vld [tilespmem:s19+$0x4030];
	[tilespmem:s19+$0x4030] =	vst v0  }
0x96: {  	v16 =	vld [tilespmem:s19+$0x4040];
	[tilespmem:s19+$0x4040] =	vst v0  }
0x97: {  	v17 =	vld [tilespmem:s19+$0x4050];
	[tilespmem:s19+$0x4050] =	vst v0  }
0x98: {  	v18 =	vld [tilespmem:s19+$0x4060];
	[tilespmem:s19+$0x4060] =	vst v0;
	v11 =	vadd.f32 v12, v11  }
0x99: {  	v61 =	vld [tilespmem:s19+$0x4070];
	[tilespmem:s19+$0x4070] =	vst v0;
	v8 =	vadd.f32 v13, v8  }
0x9a: {  	v9 =	vadd.f32 v14, v9;
	[tilespmem:s18+$0x6000] =	vst v11  }
0x9b: {  	v1 =	vadd.f32 v4, v1;
	s17 =	sadd.s32 $0x1, s17;
	v62 =	vadd.f32 v15, v5;
	[tilespmem:s18+$0x6010] =	vst v8  }
0x9c: {  	v3 =	vadd.f32 v3, v10;
	p0 =	sne.s32 s17, $0x10;
	v63 =	vadd.f32 v16, v7;
	[tilespmem:s18+$0x6020] =	vst v9  }
.Ltmp4:
0x9d: {  	v2 =	vadd.f32 v2, v6;
	v1 =	vadd.f32 v17, v1;
	[tilespmem:s18+$0x6030] =	vst v62;
	(pc) =	sbr.rel @p0 .LBB2_6-.Ltmp4, $4  }
0x9e: {  	v3 =	vadd.f32 v18, v3;
	[tilespmem:s18+$0x6040] =	vst v63  }
0x9f: {  	v2 =	vadd.f32 v61, v2;
	[tilespmem:s18+$0x6050] =	vst v1  }
0xa0: {  	[tilespmem:s18+$0x6060] =	vst v3  }
0xa1: {  	[tilespmem:s18+$0x6070] =	vst v2  }
0xa2: {  	s16 =	sadd.s32 $0x1, s16  }
0xa3: {  	p0 =	sne.s32 s16, s6  }
.Ltmp5:
0xa4: {  	_ = 	snop;
	(pc) =	sbr.rel @p0 .LBB2_1-.Ltmp5, $4  }
0xa5: {  	[hbm4b:s5+s3] =	stream.linear.scatter [tilespmem:s15], [sflag:$0x3], $0x1000, $0x38;
	[tilespmem:$0x7000] =	vst v63  }
0xa6: {  	_ =	swait.ge [sflag:s7], $0x1000  }
0xa7: {  	[sflag:s7] =	ssyncset.done $0x0  }
0xa8: {  	[sflag:s7] =	ssyncadd.s32 $0xFFFFF000  }
0xa9: {  	_ =	sfence.sel $0x180000  }
0xaa: {  	[bflag:$0x0] =	sbarrier.arrive $0xFFFF  }
0xab: {  	p0 =	sne.s32 s1, $0x0;
	_ =	strace $0x90000047  }
0xac: {  	s0 =	sadd.s32 @!p0 $0x100000, s0;
	[bflag:$0x2] =	sbarrier.arrive $0xFFFF  }
0xad: {  	[sflag:s0] =	ssyncadd.tile.s32 @!p0 $0x1;
	_ =	shalt  }
.Lfunc_end2:
_tile_overlayer_lowered:
.L_overlay_start_2:
0xae: {  	(tag) =	ssettag $0x2  }
0xaf: {  	s0 =	rddreg [dreg:$0x0];
	s2 =	stileid.u32  }
0xb0: {  	s1 =	rddreg [dreg:$0x1];
	p0 =	sne.s32 s2, $0x0  }
0xb1: {  	s3 =	rddreg [dreg:$0x2];
	[bflag:$0x3] =	sbarrier.arrive $0xFFFF;
	s2 =	simm.s32 @!p0 $0x1C03  }
0xb2: {  	[timem:s3], [sflag:s2] =	dma.local @!p0 [hbm:s0], s1  }
0xb3: {  	s0 =	simm.s32 @!p0 $0x3  }
0xb4: {  	_ =	swait.ge @!p0 [sflag:s0], s1  }
0xb5: {  	s1 =	ssub.s32 @!p0 $0x0, s1;
	[sflag:s0] =	ssyncset.done @!p0 $0x0  }
0xb6: {  	[sflag:s0] =	ssyncadd.s32 @!p0 s1  }
0xb7: {  	[bflag:$0x3] =	sbarrier.arrive $0xFFFF  }
0xb8: {  	_ =	shalt  }

</sc_bundles>
